<compile_context>
chip_gen: v7x
topology: tpu7x:2x2x1
jax: 0.10.2.dev20260603
libtpu: 0.0.44.dev20260713+nightly
codegen_flags: <defaults>
</compile_context>

<pallas_src>
import functools

import jax
import jax.numpy as jnp
from jax import lax
from jax.experimental import pallas as pl
from jax.experimental.pallas import tpu as pltpu
from jax.experimental.pallas import tpu_sc as plsc

EMB = 64
VOC = 1_000_000
N_POS = 16384
N_NEG = 16384

VBLK = 32768
NBLK = (VOC + VBLK - 1) // VBLK
SIGN = NBLK * VBLK
SROW = VBLK // 2048

NC = 2
NS = 16
L = 16
NW = NC * NS
PER_W = N_POS // NW
CH = 128
NCH = PER_W // CH


def _sigma_kernel(label_ref, win_blk, wt_blk, sig_blk, col_v):
    i = pl.program_id(0)

    @pl.when(i == 0)
    def _extract_in_row():
        lbl = label_ref[0]
        lane = lax.broadcasted_iota(jnp.int32, (1, 128), 1)
        onehot = (lane == (lbl % 128)).astype(jnp.float32)
        col_v[...] = jnp.sum(win_blk[...] * onehot, axis=1, keepdims=True)

    col = col_v[...]
    for r in range(SROW):
        strip = wt_blk[:, r * 2048:(r + 1) * 2048]
        dots = jnp.sum(strip * col, axis=0, keepdims=True)
        sig_blk[r:r + 1, :] = 1.0 / (1.0 + jnp.exp(-dots))


def _sigma_all(label, wt_in, wt_out):
    grid_spec = pltpu.PrefetchScalarGridSpec(
        num_scalar_prefetch=1,
        grid=(NBLK,),
        in_specs=[
            pl.BlockSpec((EMB, 128), lambda i, lbl: (0, lbl[0] // 128)),
            pl.BlockSpec((EMB, VBLK), lambda i, lbl: (0, i)),
        ],
        out_specs=pl.BlockSpec((SROW, 2048), lambda i, lbl: (i, 0)),
        scratch_shapes=[pltpu.VMEM((EMB, 1), jnp.float32)],
    )
    return pl.pallas_call(
        _sigma_kernel,
        grid_spec=grid_spec,
        out_shape=jax.ShapeDtypeStruct((SIGN // 2048, 2048), jnp.float32),
    )(label, wt_in, wt_out)


def _build_gather_sum():
    mesh = plsc.VectorSubcoreMesh(core_axis_name="c", subcore_axis_name="s")

    @functools.partial(
        pl.kernel,
        mesh=mesh,
        out_type=jax.ShapeDtypeStruct((NW, L), jnp.float32),
        compiler_params=pltpu.CompilerParams(
            needs_layout_passes=False, use_tc_tiling_on_sc=False),
        scratch_types=[
            pltpu.VMEM((NCH, CH), jnp.int32),
            pltpu.VMEM((NCH, CH), jnp.int32),
            pltpu.VMEM((PER_W,), jnp.float32),
            pltpu.VMEM((PER_W,), jnp.float32),
            pltpu.VMEM((L,), jnp.float32),
            pltpu.SemaphoreType.DMA,
        ],
    )
    def gather_sum(sig_hbm, pos_idx_hbm, neg_idx_hbm, out_hbm,
                   pos_iv, neg_iv, pos_sig, neg_sig, part_v, sem):
        wid = lax.axis_index("s") * NC + lax.axis_index("c")
        base = wid * NCH
        pltpu.sync_copy(pos_idx_hbm.at[pl.ds(base, NCH)], pos_iv)
        pltpu.sync_copy(neg_idx_hbm.at[pl.ds(base, NCH)], neg_iv)

        copies = []
        for j in range(NCH):
            copies.append(pltpu.async_copy(
                sig_hbm.at[pos_iv.at[j]], pos_sig.at[pl.ds(j * CH, CH)], sem))
            copies.append(pltpu.async_copy(
                sig_hbm.at[neg_iv.at[j]], neg_sig.at[pl.ds(j * CH, CH)], sem))
        for c in copies:
            c.wait()

        def body(k, acc):
            sp = pos_sig[pl.ds(k * L, L)]
            sn = neg_sig[pl.ds(k * L, L)]
            return acc + (sp - sn)
        acc = lax.fori_loop(0, PER_W // L, body, jnp.zeros((L,), jnp.float32))
        total = jnp.sum(acc)
        part_v[...] = jnp.full((L,), total)
        pltpu.sync_copy(part_v, out_hbm.at[wid])

    return gather_sum


_GATHER_SUM = _build_gather_sum()


def kernel(input_labels, pos_labels, neg_labels, W_in, W_out):
    wt_in = W_in.T
    wt_out = W_out.T
    sig = _sigma_all(input_labels.astype(jnp.int32), wt_in, wt_out)
    sig_flat = sig.reshape(SIGN)
    pos2d = pos_labels.astype(jnp.int32).reshape(NW * NCH, CH)
    neg2d = neg_labels.astype(jnp.int32).reshape(NW * NCH, CH)
    parts = _GATHER_SUM(sig_flat, pos2d, neg2d)
    return -(jnp.sum(parts[:, 0]) + jnp.float32(N_NEG))

# --- scband reference (transcript-rebuilt; emitter-appended) ---
"""Pipeline reference for scband-embedding-model-87625922773590 (READ-ONLY COPY).

The authoritative reference and input builder live on the scoring server;
editing this copy changes nothing except your own understanding.
"""

import jax, jax.numpy as jnp
import numpy as np

VOC_SIZE = 1000000
EMB_SIZE = 64
N_POS = 16384
N_NEG = 16384


def setup_inputs(seed: int = 0) -> dict:
    key = jax.random.key(seed)
    k1, k2, k3, k4, k5 = jax.random.split(key, 5)
    init_range = 0.5 / EMB_SIZE
    inp = {}
    inp["input_labels"] = jax.random.randint(k1, (1,), 0, VOC_SIZE, dtype=jnp.int64 if jax.config.jax_enable_x64 else jnp.int32)
    inp["pos_labels"] = jax.random.randint(k2, (N_POS,), 0, VOC_SIZE, dtype=jnp.int64 if jax.config.jax_enable_x64 else jnp.int32)
    inp["neg_labels"] = jax.random.randint(k3, (N_NEG,), 0, VOC_SIZE, dtype=jnp.int64 if jax.config.jax_enable_x64 else jnp.int32)
    inp["W_in"] = jax.random.uniform(k4, (VOC_SIZE, EMB_SIZE), minval=-init_range, maxval=init_range, dtype=jnp.float32)
    inp["W_out"] = jax.random.uniform(k5, (VOC_SIZE, EMB_SIZE), minval=-init_range, maxval=init_range, dtype=jnp.float32)
    return inp


def reference(input_labels, pos_labels, neg_labels, W_in, W_out):
    # nn.Embedding lookups -> gathers
    input_embedding = jnp.take(W_in, input_labels, axis=0)   # [1, emb]
    pos_embedding = jnp.take(W_out, pos_labels, axis=0)      # [C, emb]
    neg_embedding = jnp.take(W_out, neg_labels, axis=0)      # [K, emb]
    input_embedding = input_embedding[:, :, None]            # [1, emb, 1]
    pos_embedding = pos_embedding[None, :, :]                # [1, C, emb]
    neg_embedding = neg_embedding[None, :, :]                # [1, K, emb]
    pos_dot = jnp.matmul(pos_embedding, input_embedding)     # [1, C, 1] (bmm)
    neg_dot = jnp.matmul(neg_embedding, -input_embedding)    # [1, K, 1] (bmm)
    log_pos = jax.nn.sigmoid(pos_dot).sum(axis=1)            # [1, 1]
    log_neg = jax.nn.sigmoid(neg_dot).sum(axis=1)            # [1, 1]
    loss = jnp.squeeze(-log_pos - log_neg)                   # scalar
    return loss

if __name__ == "__main__":
    import jax
    _d = setup_inputs()
    print(jax.jit(kernel)(*tuple(_d.values())))

</pallas_src>

<mosaic_0001>
#map = affine_map<(d0, d1) -> (0)>
#map1 = affine_map<(d0, d1) -> (0, 0)>
module attributes {stable_mosaic.version = 14 : i64} {
  func.func @gather_sum(%arg0: i32, %arg1: i32, %arg2: memref<1015808xf32, #tpu.memory_space<hbm>>, %arg3: memref<128x128xi32, #tpu.memory_space<hbm>>, %arg4: memref<128x128xi32, #tpu.memory_space<hbm>>, %arg5: memref<32x16xf32, #tpu.memory_space<hbm>>, %arg6: memref<4x128xi32, #tpu.memory_space<vmem>>, %arg7: memref<4x128xi32, #tpu.memory_space<vmem>>, %arg8: memref<512xf32, #tpu.memory_space<vmem>>, %arg9: memref<512xf32, #tpu.memory_space<vmem>>, %arg10: memref<16xf32, #tpu.memory_space<vmem>>, %arg11: memref<!tpu.dma_semaphore, #tpu.memory_space<semaphore_mem>>) attributes {dimension_semantics = [#tpu.dimension_semantics<core_parallel>, #tpu.dimension_semantics<subcore_parallel>], iteration_bounds = array<i64: 2, 16>, scalar_prefetch = 0 : i64, scratch_operands = 6 : i64, tpu.core_type = #tpu.core_type<sc_vector_subcore>, window_params = [{transform_indices = #map}, {transform_indices = #map1}, {transform_indices = #map1}, {transform_indices = #map1}]} {
    %mul3A = arith.constant 2 : i32
    %mul3A_0 = arith.muli %arg1, %mul3A : i32
    %add3A = arith.addi %mul3A_0, %arg0 : i32
    %mul3A_1 = arith.constant 4 : i32
    %mul3A_2 = arith.muli %add3A, %mul3A_1 : i32
    "tpu.region"() ({
      %run_scoped3A = tpu.sem_alloc : memref<!tpu.dma_semaphore, #tpu.memory_space<semaphore_mem>>
      %dma_start3A_140 = arith.constant 0 : i32
      %dma_start3A_141 = tpu.memref_slice %arg3[%mul3A_2, %dma_start3A_140] : memref<128x128xi32, #tpu.memory_space<hbm>> -> memref<4x128xi32, #tpu.memory_space<hbm>>
      %dma_start3A_142 = arith.constant 0 : i32
      %dma_start3A_143 = tpu.memref_slice %arg3[%mul3A_2, %dma_start3A_142] : memref<128x128xi32, #tpu.memory_space<hbm>> -> memref<4x128xi32, #tpu.memory_space<hbm>>
      tpu.enqueue_dma source(%dma_start3A_143 : memref<4x128xi32, #tpu.memory_space<hbm>>) target(%arg6 : memref<4x128xi32, #tpu.memory_space<vmem>>) target_semaphore(%run_scoped3A : memref<!tpu.dma_semaphore, #tpu.memory_space<semaphore_mem>>)
      %dma_wait3A_144 = arith.constant 0 : i32
      %dma_wait3A_145 = tpu.memref_slice %arg3[%mul3A_2, %dma_wait3A_144] : memref<128x128xi32, #tpu.memory_space<hbm>> -> memref<4x128xi32, #tpu.memory_space<hbm>>
      %dma_wait3A_146 = arith.constant 0 : i32
      %dma_wait3A_147 = tpu.memref_slice %arg3[%mul3A_2, %dma_wait3A_146] : memref<128x128xi32, #tpu.memory_space<hbm>> -> memref<4x128xi32, #tpu.memory_space<hbm>>
      tpu.wait_dma2 semaphore(%run_scoped3A : memref<!tpu.dma_semaphore, #tpu.memory_space<semaphore_mem>>) src(%dma_wait3A_147 : memref<4x128xi32, #tpu.memory_space<hbm>>) dst(%arg6 : memref<4x128xi32, #tpu.memory_space<vmem>>)
      tpu.yield
    }) : () -> ()
    "tpu.region"() ({
      %run_scoped3A = tpu.sem_alloc : memref<!tpu.dma_semaphore, #tpu.memory_space<semaphore_mem>>
      %dma_start3A_140 = arith.constant 0 : i32
      %dma_start3A_141 = tpu.memref_slice %arg4[%mul3A_2, %dma_start3A_140] : memref<128x128xi32, #tpu.memory_space<hbm>> -> memref<4x128xi32, #tpu.memory_space<hbm>>
      %dma_start3A_142 = arith.constant 0 : i32
      %dma_start3A_143 = tpu.memref_slice %arg4[%mul3A_2, %dma_start3A_142] : memref<128x128xi32, #tpu.memory_space<hbm>> -> memref<4x128xi32, #tpu.memory_space<hbm>>
      tpu.enqueue_dma source(%dma_start3A_143 : memref<4x128xi32, #tpu.memory_space<hbm>>) target(%arg7 : memref<4x128xi32, #tpu.memory_space<vmem>>) target_semaphore(%run_scoped3A : memref<!tpu.dma_semaphore, #tpu.memory_space<semaphore_mem>>)
      %dma_wait3A_144 = arith.constant 0 : i32
      %dma_wait3A_145 = tpu.memref_slice %arg4[%mul3A_2, %dma_wait3A_144] : memref<128x128xi32, #tpu.memory_space<hbm>> -> memref<4x128xi32, #tpu.memory_space<hbm>>
      %dma_wait3A_146 = arith.constant 0 : i32
      %dma_wait3A_147 = tpu.memref_slice %arg4[%mul3A_2, %dma_wait3A_146] : memref<128x128xi32, #tpu.memory_space<hbm>> -> memref<4x128xi32, #tpu.memory_space<hbm>>
      tpu.wait_dma2 semaphore(%run_scoped3A : memref<!tpu.dma_semaphore, #tpu.memory_space<semaphore_mem>>) src(%dma_wait3A_147 : memref<4x128xi32, #tpu.memory_space<hbm>>) dst(%arg7 : memref<4x128xi32, #tpu.memory_space<vmem>>)
      tpu.yield
    }) : () -> ()
    %dma_start3A = arith.constant 0 : i32
    %dma_start3A_3 = arith.constant 0 : i32
    %dma_start3A_4 = tpu.memref_slice %arg8[%dma_start3A_3] : memref<512xf32, #tpu.memory_space<vmem>> -> memref<128xf32, #tpu.memory_space<vmem>>
    %dma_start3A_5 = arith.constant 0 : i32
    %dma_start3A_6 = tpu.memref_slice %arg6[%dma_start3A, %dma_start3A_5] : memref<4x128xi32, #tpu.memory_space<vmem>> -> memref<1x128xi32, #tpu.memory_space<vmem>>
    %dma_start3A_7 = tpu.memref_squeeze %dma_start3A_6 : memref<1x128xi32, #tpu.memory_space<vmem>> -> memref<128xi32, #tpu.memory_space<vmem>>
    %dma_start3A_8 = arith.constant 0 : i32
    %dma_start3A_9 = tpu.memref_slice %arg2[%dma_start3A_8] : memref<1015808xf32, #tpu.memory_space<hbm>> -> memref<1015808xf32, #tpu.memory_space<hbm>>
    tpu.enqueue_indirect_dma source(%dma_start3A_9 : memref<1015808xf32, #tpu.memory_space<hbm>>) target(%dma_start3A_4 : memref<128xf32, #tpu.memory_space<vmem>>) offsets(%dma_start3A_7 : memref<128xi32, #tpu.memory_space<vmem>>) semaphore(%arg11 : memref<!tpu.dma_semaphore, #tpu.memory_space<semaphore_mem>>)
    %dma_start3A_10 = arith.constant 0 : i32
    %dma_start3A_11 = arith.constant 0 : i32
    %dma_start3A_12 = tpu.memref_slice %arg9[%dma_start3A_11] : memref<512xf32, #tpu.memory_space<vmem>> -> memref<128xf32, #tpu.memory_space<vmem>>
    %dma_start3A_13 = arith.constant 0 : i32
    %dma_start3A_14 = tpu.memref_slice %arg7[%dma_start3A_10, %dma_start3A_13] : memref<4x128xi32, #tpu.memory_space<vmem>> -> memref<1x128xi32, #tpu.memory_space<vmem>>
    %dma_start3A_15 = tpu.memref_squeeze %dma_start3A_14 : memref<1x128xi32, #tpu.memory_space<vmem>> -> memref<128xi32, #tpu.memory_space<vmem>>
    %dma_start3A_16 = arith.constant 0 : i32
    %dma_start3A_17 = tpu.memref_slice %arg2[%dma_start3A_16] : memref<1015808xf32, #tpu.memory_space<hbm>> -> memref<1015808xf32, #tpu.memory_space<hbm>>
    tpu.enqueue_indirect_dma source(%dma_start3A_17 : memref<1015808xf32, #tpu.memory_space<hbm>>) target(%dma_start3A_12 : memref<128xf32, #tpu.memory_space<vmem>>) offsets(%dma_start3A_15 : memref<128xi32, #tpu.memory_space<vmem>>) semaphore(%arg11 : memref<!tpu.dma_semaphore, #tpu.memory_space<semaphore_mem>>)
    %dma_start3A_18 = arith.constant 1 : i32
    %dma_start3A_19 = arith.constant 128 : i32
    %dma_start3A_20 = tpu.memref_slice %arg8[%dma_start3A_19] : memref<512xf32, #tpu.memory_space<vmem>> -> memref<128xf32, #tpu.memory_space<vmem>>
    %dma_start3A_21 = arith.constant 0 : i32
    %dma_start3A_22 = tpu.memref_slice %arg6[%dma_start3A_18, %dma_start3A_21] : memref<4x128xi32, #tpu.memory_space<vmem>> -> memref<1x128xi32, #tpu.memory_space<vmem>>
    %dma_start3A_23 = tpu.memref_squeeze %dma_start3A_22 : memref<1x128xi32, #tpu.memory_space<vmem>> -> memref<128xi32, #tpu.memory_space<vmem>>
    %dma_start3A_24 = arith.constant 0 : i32
    %dma_start3A_25 = tpu.memref_slice %arg2[%dma_start3A_24] : memref<1015808xf32, #tpu.memory_space<hbm>> -> memref<1015808xf32, #tpu.memory_space<hbm>>
    tpu.enqueue_indirect_dma source(%dma_start3A_25 : memref<1015808xf32, #tpu.memory_space<hbm>>) target(%dma_start3A_20 : memref<128xf32, #tpu.memory_space<vmem>>) offsets(%dma_start3A_23 : memref<128xi32, #tpu.memory_space<vmem>>) semaphore(%arg11 : memref<!tpu.dma_semaphore, #tpu.memory_space<semaphore_mem>>)
    %dma_start3A_26 = arith.constant 1 : i32
    %dma_start3A_27 = arith.constant 128 : i32
    %dma_start3A_28 = tpu.memref_slice %arg9[%dma_start3A_27] : memref<512xf32, #tpu.memory_space<vmem>> -> memref<128xf32, #tpu.memory_space<vmem>>
    %dma_start3A_29 = arith.constant 0 : i32
    %dma_start3A_30 = tpu.memref_slice %arg7[%dma_start3A_26, %dma_start3A_29] : memref<4x128xi32, #tpu.memory_space<vmem>> -> memref<1x128xi32, #tpu.memory_space<vmem>>
    %dma_start3A_31 = tpu.memref_squeeze %dma_start3A_30 : memref<1x128xi32, #tpu.memory_space<vmem>> -> memref<128xi32, #tpu.memory_space<vmem>>
    %dma_start3A_32 = arith.constant 0 : i32
    %dma_start3A_33 = tpu.memref_slice %arg2[%dma_start3A_32] : memref<1015808xf32, #tpu.memory_space<hbm>> -> memref<1015808xf32, #tpu.memory_space<hbm>>
    tpu.enqueue_indirect_dma source(%dma_start3A_33 : memref<1015808xf32, #tpu.memory_space<hbm>>) target(%dma_start3A_28 : memref<128xf32, #tpu.memory_space<vmem>>) offsets(%dma_start3A_31 : memref<128xi32, #tpu.memory_space<vmem>>) semaphore(%arg11 : memref<!tpu.dma_semaphore, #tpu.memory_space<semaphore_mem>>)
    %dma_start3A_34 = arith.constant 2 : i32
    %dma_start3A_35 = arith.constant 256 : i32
    %dma_start3A_36 = tpu.memref_slice %arg8[%dma_start3A_35] : memref<512xf32, #tpu.memory_space<vmem>> -> memref<128xf32, #tpu.memory_space<vmem>>
    %dma_start3A_37 = arith.constant 0 : i32
    %dma_start3A_38 = tpu.memref_slice %arg6[%dma_start3A_34, %dma_start3A_37] : memref<4x128xi32, #tpu.memory_space<vmem>> -> memref<1x128xi32, #tpu.memory_space<vmem>>
    %dma_start3A_39 = tpu.memref_squeeze %dma_start3A_38 : memref<1x128xi32, #tpu.memory_space<vmem>> -> memref<128xi32, #tpu.memory_space<vmem>>
    %dma_start3A_40 = arith.constant 0 : i32
    %dma_start3A_41 = tpu.memref_slice %arg2[%dma_start3A_40] : memref<1015808xf32, #tpu.memory_space<hbm>> -> memref<1015808xf32, #tpu.memory_space<hbm>>
    tpu.enqueue_indirect_dma source(%dma_start3A_41 : memref<1015808xf32, #tpu.memory_space<hbm>>) target(%dma_start3A_36 : memref<128xf32, #tpu.memory_space<vmem>>) offsets(%dma_start3A_39 : memref<128xi32, #tpu.memory_space<vmem>>) semaphore(%arg11 : memref<!tpu.dma_semaphore, #tpu.memory_space<semaphore_mem>>)
    %dma_start3A_42 = arith.constant 2 : i32
    %dma_start3A_43 = arith.constant 256 : i32
    %dma_start3A_44 = tpu.memref_slice %arg9[%dma_start3A_43] : memref<512xf32, #tpu.memory_space<vmem>> -> memref<128xf32, #tpu.memory_space<vmem>>
    %dma_start3A_45 = arith.constant 0 : i32
    %dma_start3A_46 = tpu.memref_slice %arg7[%dma_start3A_42, %dma_start3A_45] : memref<4x128xi32, #tpu.memory_space<vmem>> -> memref<1x128xi32, #tpu.memory_space<vmem>>
    %dma_start3A_47 = tpu.memref_squeeze %dma_start3A_46 : memref<1x128xi32, #tpu.memory_space<vmem>> -> memref<128xi32, #tpu.memory_space<vmem>>
    %dma_start3A_48 = arith.constant 0 : i32
    %dma_start3A_49 = tpu.memref_slice %arg2[%dma_start3A_48] : memref<1015808xf32, #tpu.memory_space<hbm>> -> memref<1015808xf32, #tpu.memory_space<hbm>>
    tpu.enqueue_indirect_dma source(%dma_start3A_49 : memref<1015808xf32, #tpu.memory_space<hbm>>) target(%dma_start3A_44 : memref<128xf32, #tpu.memory_space<vmem>>) offsets(%dma_start3A_47 : memref<128xi32, #tpu.memory_space<vmem>>) semaphore(%arg11 : memref<!tpu.dma_semaphore, #tpu.memory_space<semaphore_mem>>)
    %dma_start3A_50 = arith.constant 3 : i32
    %dma_start3A_51 = arith.constant 384 : i32
    %dma_start3A_52 = tpu.memref_slice %arg8[%dma_start3A_51] : memref<512xf32, #tpu.memory_space<vmem>> -> memref<128xf32, #tpu.memory_space<vmem>>
    %dma_start3A_53 = arith.constant 0 : i32
    %dma_start3A_54 = tpu.memref_slice %arg6[%dma_start3A_50, %dma_start3A_53] : memref<4x128xi32, #tpu.memory_space<vmem>> -> memref<1x128xi32, #tpu.memory_space<vmem>>
    %dma_start3A_55 = tpu.memref_squeeze %dma_start3A_54 : memref<1x128xi32, #tpu.memory_space<vmem>> -> memref<128xi32, #tpu.memory_space<vmem>>
    %dma_start3A_56 = arith.constant 0 : i32
    %dma_start3A_57 = tpu.memref_slice %arg2[%dma_start3A_56] : memref<1015808xf32, #tpu.memory_space<hbm>> -> memref<1015808xf32, #tpu.memory_space<hbm>>
    tpu.enqueue_indirect_dma source(%dma_start3A_57 : memref<1015808xf32, #tpu.memory_space<hbm>>) target(%dma_start3A_52 : memref<128xf32, #tpu.memory_space<vmem>>) offsets(%dma_start3A_55 : memref<128xi32, #tpu.memory_space<vmem>>) semaphore(%arg11 : memref<!tpu.dma_semaphore, #tpu.memory_space<semaphore_mem>>)
    %dma_start3A_58 = arith.constant 3 : i32
    %dma_start3A_59 = arith.constant 384 : i32
    %dma_start3A_60 = tpu.memref_slice %arg9[%dma_start3A_59] : memref<512xf32, #tpu.memory_space<vmem>> -> memref<128xf32, #tpu.memory_space<vmem>>
    %dma_start3A_61 = arith.constant 0 : i32
    %dma_start3A_62 = tpu.memref_slice %arg7[%dma_start3A_58, %dma_start3A_61] : memref<4x128xi32, #tpu.memory_space<vmem>> -> memref<1x128xi32, #tpu.memory_space<vmem>>
    %dma_start3A_63 = tpu.memref_squeeze %dma_start3A_62 : memref<1x128xi32, #tpu.memory_space<vmem>> -> memref<128xi32, #tpu.memory_space<vmem>>
    %dma_start3A_64 = arith.constant 0 : i32
    %dma_start3A_65 = tpu.memref_slice %arg2[%dma_start3A_64] : memref<1015808xf32, #tpu.memory_space<hbm>> -> memref<1015808xf32, #tpu.memory_space<hbm>>
    tpu.enqueue_indirect_dma source(%dma_start3A_65 : memref<1015808xf32, #tpu.memory_space<hbm>>) target(%dma_start3A_60 : memref<128xf32, #tpu.memory_space<vmem>>) offsets(%dma_start3A_63 : memref<128xi32, #tpu.memory_space<vmem>>) semaphore(%arg11 : memref<!tpu.dma_semaphore, #tpu.memory_space<semaphore_mem>>)
    %dma_wait3A = arith.constant 0 : i32
    %dma_wait3A_66 = arith.constant 0 : i32
    %dma_wait3A_67 = tpu.memref_slice %arg8[%dma_wait3A_66] : memref<512xf32, #tpu.memory_space<vmem>> -> memref<128xf32, #tpu.memory_space<vmem>>
    %dma_wait3A_68 = arith.constant 0 : i32
    %dma_wait3A_69 = tpu.memref_slice %arg6[%dma_wait3A, %dma_wait3A_68] : memref<4x128xi32, #tpu.memory_space<vmem>> -> memref<1x128xi32, #tpu.memory_space<vmem>>
    %dma_wait3A_70 = tpu.memref_squeeze %dma_wait3A_69 : memref<1x128xi32, #tpu.memory_space<vmem>> -> memref<128xi32, #tpu.memory_space<vmem>>
    %dma_wait3A_71 = arith.constant 0 : i32
    %dma_wait3A_72 = tpu.memref_slice %arg2[%dma_wait3A_71] : memref<1015808xf32, #tpu.memory_space<hbm>> -> memref<1015808xf32, #tpu.memory_space<hbm>>
    tpu.wait_indirect_dma semaphore(%arg11 : memref<!tpu.dma_semaphore, #tpu.memory_space<semaphore_mem>>) src(%dma_wait3A_72 : memref<1015808xf32, #tpu.memory_space<hbm>>) dst(%dma_wait3A_67 : memref<128xf32, #tpu.memory_space<vmem>>)
    %dma_wait3A_73 = arith.constant 0 : i32
    %dma_wait3A_74 = arith.constant 0 : i32
    %dma_wait3A_75 = tpu.memref_slice %arg9[%dma_wait3A_74] : memref<512xf32, #tpu.memory_space<vmem>> -> memref<128xf32, #tpu.memory_space<vmem>>
    %dma_wait3A_76 = arith.constant 0 : i32
    %dma_wait3A_77 = tpu.memref_slice %arg7[%dma_wait3A_73, %dma_wait3A_76] : memref<4x128xi32, #tpu.memory_space<vmem>> -> memref<1x128xi32, #tpu.memory_space<vmem>>
    %dma_wait3A_78 = tpu.memref_squeeze %dma_wait3A_77 : memref<1x128xi32, #tpu.memory_space<vmem>> -> memref<128xi32, #tpu.memory_space<vmem>>
    %dma_wait3A_79 = arith.constant 0 : i32
    %dma_wait3A_80 = tpu.memref_slice %arg2[%dma_wait3A_79] : memref<1015808xf32, #tpu.memory_space<hbm>> -> memref<1015808xf32, #tpu.memory_space<hbm>>
    tpu.wait_indirect_dma semaphore(%arg11 : memref<!tpu.dma_semaphore, #tpu.memory_space<semaphore_mem>>) src(%dma_wait3A_80 : memref<1015808xf32, #tpu.memory_space<hbm>>) dst(%dma_wait3A_75 : memref<128xf32, #tpu.memory_space<vmem>>)
    %dma_wait3A_81 = arith.constant 1 : i32
    %dma_wait3A_82 = arith.constant 128 : i32
    %dma_wait3A_83 = tpu.memref_slice %arg8[%dma_wait3A_82] : memref<512xf32, #tpu.memory_space<vmem>> -> memref<128xf32, #tpu.memory_space<vmem>>
    %dma_wait3A_84 = arith.constant 0 : i32
    %dma_wait3A_85 = tpu.memref_slice %arg6[%dma_wait3A_81, %dma_wait3A_84] : memref<4x128xi32, #tpu.memory_space<vmem>> -> memref<1x128xi32, #tpu.memory_space<vmem>>
    %dma_wait3A_86 = tpu.memref_squeeze %dma_wait3A_85 : memref<1x128xi32, #tpu.memory_space<vmem>> -> memref<128xi32, #tpu.memory_space<vmem>>
    %dma_wait3A_87 = arith.constant 0 : i32
    %dma_wait3A_88 = tpu.memref_slice %arg2[%dma_wait3A_87] : memref<1015808xf32, #tpu.memory_space<hbm>> -> memref<1015808xf32, #tpu.memory_space<hbm>>
    tpu.wait_indirect_dma semaphore(%arg11 : memref<!tpu.dma_semaphore, #tpu.memory_space<semaphore_mem>>) src(%dma_wait3A_88 : memref<1015808xf32, #tpu.memory_space<hbm>>) dst(%dma_wait3A_83 : memref<128xf32, #tpu.memory_space<vmem>>)
    %dma_wait3A_89 = arith.constant 1 : i32
    %dma_wait3A_90 = arith.constant 128 : i32
    %dma_wait3A_91 = tpu.memref_slice %arg9[%dma_wait3A_90] : memref<512xf32, #tpu.memory_space<vmem>> -> memref<128xf32, #tpu.memory_space<vmem>>
    %dma_wait3A_92 = arith.constant 0 : i32
    %dma_wait3A_93 = tpu.memref_slice %arg7[%dma_wait3A_89, %dma_wait3A_92] : memref<4x128xi32, #tpu.memory_space<vmem>> -> memref<1x128xi32, #tpu.memory_space<vmem>>
    %dma_wait3A_94 = tpu.memref_squeeze %dma_wait3A_93 : memref<1x128xi32, #tpu.memory_space<vmem>> -> memref<128xi32, #tpu.memory_space<vmem>>
    %dma_wait3A_95 = arith.constant 0 : i32
    %dma_wait3A_96 = tpu.memref_slice %arg2[%dma_wait3A_95] : memref<1015808xf32, #tpu.memory_space<hbm>> -> memref<1015808xf32, #tpu.memory_space<hbm>>
    tpu.wait_indirect_dma semaphore(%arg11 : memref<!tpu.dma_semaphore, #tpu.memory_space<semaphore_mem>>) src(%dma_wait3A_96 : memref<1015808xf32, #tpu.memory_space<hbm>>) dst(%dma_wait3A_91 : memref<128xf32, #tpu.memory_space<vmem>>)
    %dma_wait3A_97 = arith.constant 2 : i32
    %dma_wait3A_98 = arith.constant 256 : i32
    %dma_wait3A_99 = tpu.memref_slice %arg8[%dma_wait3A_98] : memref<512xf32, #tpu.memory_space<vmem>> -> memref<128xf32, #tpu.memory_space<vmem>>
    %dma_wait3A_100 = arith.constant 0 : i32
    %dma_wait3A_101 = tpu.memref_slice %arg6[%dma_wait3A_97, %dma_wait3A_100] : memref<4x128xi32, #tpu.memory_space<vmem>> -> memref<1x128xi32, #tpu.memory_space<vmem>>
    %dma_wait3A_102 = tpu.memref_squeeze %dma_wait3A_101 : memref<1x128xi32, #tpu.memory_space<vmem>> -> memref<128xi32, #tpu.memory_space<vmem>>
    %dma_wait3A_103 = arith.constant 0 : i32
    %dma_wait3A_104 = tpu.memref_slice %arg2[%dma_wait3A_103] : memref<1015808xf32, #tpu.memory_space<hbm>> -> memref<1015808xf32, #tpu.memory_space<hbm>>
    tpu.wait_indirect_dma semaphore(%arg11 : memref<!tpu.dma_semaphore, #tpu.memory_space<semaphore_mem>>) src(%dma_wait3A_104 : memref<1015808xf32, #tpu.memory_space<hbm>>) dst(%dma_wait3A_99 : memref<128xf32, #tpu.memory_space<vmem>>)
    %dma_wait3A_105 = arith.constant 2 : i32
    %dma_wait3A_106 = arith.constant 256 : i32
    %dma_wait3A_107 = tpu.memref_slice %arg9[%dma_wait3A_106] : memref<512xf32, #tpu.memory_space<vmem>> -> memref<128xf32, #tpu.memory_space<vmem>>
    %dma_wait3A_108 = arith.constant 0 : i32
    %dma_wait3A_109 = tpu.memref_slice %arg7[%dma_wait3A_105, %dma_wait3A_108] : memref<4x128xi32, #tpu.memory_space<vmem>> -> memref<1x128xi32, #tpu.memory_space<vmem>>
    %dma_wait3A_110 = tpu.memref_squeeze %dma_wait3A_109 : memref<1x128xi32, #tpu.memory_space<vmem>> -> memref<128xi32, #tpu.memory_space<vmem>>
    %dma_wait3A_111 = arith.constant 0 : i32
    %dma_wait3A_112 = tpu.memref_slice %arg2[%dma_wait3A_111] : memref<1015808xf32, #tpu.memory_space<hbm>> -> memref<1015808xf32, #tpu.memory_space<hbm>>
    tpu.wait_indirect_dma semaphore(%arg11 : memref<!tpu.dma_semaphore, #tpu.memory_space<semaphore_mem>>) src(%dma_wait3A_112 : memref<1015808xf32, #tpu.memory_space<hbm>>) dst(%dma_wait3A_107 : memref<128xf32, #tpu.memory_space<vmem>>)
    %dma_wait3A_113 = arith.constant 3 : i32
    %dma_wait3A_114 = arith.constant 384 : i32
    %dma_wait3A_115 = tpu.memref_slice %arg8[%dma_wait3A_114] : memref<512xf32, #tpu.memory_space<vmem>> -> memref<128xf32, #tpu.memory_space<vmem>>
    %dma_wait3A_116 = arith.constant 0 : i32
    %dma_wait3A_117 = tpu.memref_slice %arg6[%dma_wait3A_113, %dma_wait3A_116] : memref<4x128xi32, #tpu.memory_space<vmem>> -> memref<1x128xi32, #tpu.memory_space<vmem>>
    %dma_wait3A_118 = tpu.memref_squeeze %dma_wait3A_117 : memref<1x128xi32, #tpu.memory_space<vmem>> -> memref<128xi32, #tpu.memory_space<vmem>>
    %dma_wait3A_119 = arith.constant 0 : i32
    %dma_wait3A_120 = tpu.memref_slice %arg2[%dma_wait3A_119] : memref<1015808xf32, #tpu.memory_space<hbm>> -> memref<1015808xf32, #tpu.memory_space<hbm>>
    tpu.wait_indirect_dma semaphore(%arg11 : memref<!tpu.dma_semaphore, #tpu.memory_space<semaphore_mem>>) src(%dma_wait3A_120 : memref<1015808xf32, #tpu.memory_space<hbm>>) dst(%dma_wait3A_115 : memref<128xf32, #tpu.memory_space<vmem>>)
    %dma_wait3A_121 = arith.constant 3 : i32
    %dma_wait3A_122 = arith.constant 384 : i32
    %dma_wait3A_123 = tpu.memref_slice %arg9[%dma_wait3A_122] : memref<512xf32, #tpu.memory_space<vmem>> -> memref<128xf32, #tpu.memory_space<vmem>>
    %dma_wait3A_124 = arith.constant 0 : i32
    %dma_wait3A_125 = tpu.memref_slice %arg7[%dma_wait3A_121, %dma_wait3A_124] : memref<4x128xi32, #tpu.memory_space<vmem>> -> memref<1x128xi32, #tpu.memory_space<vmem>>
    %dma_wait3A_126 = tpu.memref_squeeze %dma_wait3A_125 : memref<1x128xi32, #tpu.memory_space<vmem>> -> memref<128xi32, #tpu.memory_space<vmem>>
    %dma_wait3A_127 = arith.constant 0 : i32
    %dma_wait3A_128 = tpu.memref_slice %arg2[%dma_wait3A_127] : memref<1015808xf32, #tpu.memory_space<hbm>> -> memref<1015808xf32, #tpu.memory_space<hbm>>
    tpu.wait_indirect_dma semaphore(%arg11 : memref<!tpu.dma_semaphore, #tpu.memory_space<semaphore_mem>>) src(%dma_wait3A_128 : memref<1015808xf32, #tpu.memory_space<hbm>>) dst(%dma_wait3A_123 : memref<128xf32, #tpu.memory_space<vmem>>)
    %broadcast_in_dim3A = arith.constant 0.000000e+00 : f32
    %broadcast_in_dim3A_129 = vector.broadcast %broadcast_in_dim3A : f32 to vector<16xf32>
    %scan3A = arith.constant 0 : i32
    %scan3A_130 = arith.constant 32 : i32
    %scan3A_131 = arith.addi %scan3A, %scan3A_130 : i32
    %scan3A_132 = arith.constant 1 : i32
    %scan3A_133 = scf.for %scan3A_140 = %scan3A to %scan3A_131 step %scan3A_132 iter_args(%scan3A_141 = %broadcast_in_dim3A_129) -> (vector<16xf32>)  : i32 {
      %mul3A_142 = arith.constant 16 : i32
      %mul3A_143 = arith.muli %scan3A_140, %mul3A_142 : i32
      %get3A = arith.index_cast %mul3A_143 : i32 to index
      %get3A_144 = tpu.vector_load %arg8[%get3A] {strides = array<i32>} : memref<512xf32, #tpu.memory_space<vmem>>, vector<16xf32>,
      %mul3A_145 = arith.constant 16 : i32
      %mul3A_146 = arith.muli %scan3A_140, %mul3A_145 : i32
      %get3A_147 = arith.index_cast %mul3A_146 : i32 to index
      %get3A_148 = tpu.vector_load %arg9[%get3A_147] {strides = array<i32>} : memref<512xf32, #tpu.memory_space<vmem>>, vector<16xf32>,
      %sub3A = arith.subf %get3A_144, %get3A_148 : vector<16xf32>
      %add3A_149 = arith.addf %scan3A_141, %sub3A : vector<16xf32>
      scf.yield %add3A_149 : vector<16xf32>
    }
    %scan3A_134 = arith.constant 32 : i32
    %reduce_sum3A = arith.constant true
    %reduce_sum3A_135 = vector.broadcast %reduce_sum3A : i1 to vector<16xi1>
    %reduce_sum3A_136 = tpu.scan <sum>, %scan3A_133 masked %reduce_sum3A_135 : vector<16xf32>, vector<16xi1> -> vector<16xf32>
    %reduce_sum3A_137 = vector.extract %reduce_sum3A_136[15] : f32 from vector<16xf32>
    %broadcast_in_dim3A_138 = vector.broadcast %reduce_sum3A_137 : f32 to vector<16xf32>
    %swap3A = arith.constant 0 : index
    %swap3A_139 = tpu.vector_load %arg10[%swap3A] {strides = array<i32>} : memref<16xf32, #tpu.memory_space<vmem>>, vector<16xf32>,
    tpu.vector_store %arg10[%swap3A], %broadcast_in_dim3A_138 {strides = array<i32>} : memref<16xf32, #tpu.memory_space<vmem>>, vector<16xf32>,
    "tpu.region"() ({
      %run_scoped3A = tpu.sem_alloc : memref<!tpu.dma_semaphore, #tpu.memory_space<semaphore_mem>>
      %dma_start3A_140 = arith.constant 0 : i32
      %dma_start3A_141 = tpu.memref_slice %arg5[%add3A, %dma_start3A_140] : memref<32x16xf32, #tpu.memory_space<hbm>> -> memref<1x16xf32, #tpu.memory_space<hbm>>
      %dma_start3A_142 = tpu.memref_squeeze %dma_start3A_141 : memref<1x16xf32, #tpu.memory_space<hbm>> -> memref<16xf32, #tpu.memory_space<hbm>>
      %dma_start3A_143 = arith.constant 0 : i32
      %dma_start3A_144 = tpu.memref_slice %arg5[%add3A, %dma_start3A_143] : memref<32x16xf32, #tpu.memory_space<hbm>> -> memref<1x16xf32, #tpu.memory_space<hbm>>
      %dma_start3A_145 = tpu.memref_squeeze %dma_start3A_144 : memref<1x16xf32, #tpu.memory_space<hbm>> -> memref<16xf32, #tpu.memory_space<hbm>>
      tpu.enqueue_dma source(%arg10 : memref<16xf32, #tpu.memory_space<vmem>>) target(%dma_start3A_145 : memref<16xf32, #tpu.memory_space<hbm>>) target_semaphore(%run_scoped3A : memref<!tpu.dma_semaphore, #tpu.memory_space<semaphore_mem>>)
      %dma_wait3A_146 = arith.constant 0 : i32
      %dma_wait3A_147 = tpu.memref_slice %arg5[%add3A, %dma_wait3A_146] : memref<32x16xf32, #tpu.memory_space<hbm>> -> memref<1x16xf32, #tpu.memory_space<hbm>>
      %dma_wait3A_148 = tpu.memref_squeeze %dma_wait3A_147 : memref<1x16xf32, #tpu.memory_space<hbm>> -> memref<16xf32, #tpu.memory_space<hbm>>
      %dma_wait3A_149 = arith.constant 0 : i32
      %dma_wait3A_150 = tpu.memref_slice %arg5[%add3A, %dma_wait3A_149] : memref<32x16xf32, #tpu.memory_space<hbm>> -> memref<1x16xf32, #tpu.memory_space<hbm>>
      %dma_wait3A_151 = tpu.memref_squeeze %dma_wait3A_150 : memref<1x16xf32, #tpu.memory_space<hbm>> -> memref<16xf32, #tpu.memory_space<hbm>>
      tpu.wait_dma2 semaphore(%run_scoped3A : memref<!tpu.dma_semaphore, #tpu.memory_space<semaphore_mem>>) src(%arg10 : memref<16xf32, #tpu.memory_space<vmem>>) dst(%dma_wait3A_151 : memref<16xf32, #tpu.memory_space<hbm>>)
      tpu.yield
    }) : () -> ()
    return
  }
}

module attributes {stable_mosaic.version = 14 : i64} {
  func.func @_sigma_kernel(%arg0: i32, %arg1: memref<1xi32, #tpu.memory_space<smem>>, %arg2: memref<64x128xf32, #tpu.memory_space<vmem>>, %arg3: memref<64x32768xf32, #tpu.memory_space<vmem>>, %arg4: memref<16x2048xf32, #tpu.memory_space<vmem>>, %arg5: memref<64x1xf32, #tpu.memory_space<vmem>>) attributes {dimension_semantics = [#tpu.dimension_semantics<arbitrary>], iteration_bounds = array<i64: 31>, scalar_prefetch = 1 : i64, scratch_operands = 1 : i64, tpu.core_type = #tpu.core_type<tc>, window_params = [{transform_indices = @transform_0, window_bounds = array<i64: 64, 128>}, {transform_indices = @transform_1, window_bounds = array<i64: 64, 32768>}, {transform_indices = @transform_2, window_bounds = array<i64: 16, 2048>}]} {
    %eq3A = arith.constant 0 : i32
    %eq3A_0 = arith.cmpi eq, %arg0, %eq3A : i32
    %convert_element_type3A = arith.extui %eq3A_0 : i1 to i32
    %cond3A = arith.constant 0 : i32
    %cond3A_1 = arith.cmpi ne, %convert_element_type3A, %cond3A : i32
    scf.if %cond3A_1 {
      %get3A_332 = arith.constant 0 : index
      %get3A_333 = memref.load %arg1[%get3A_332] : memref<1xi32, #tpu.memory_space<smem>>
      %iota3A = tpu.iota {dimensions = array<i32: 1>} : vector<1x128xi32>
      %jit3A = arith.constant 128 : i32
      %eq3A_334 = arith.constant 0 : i32
      %eq3A_335 = arith.cmpi eq, %jit3A, %eq3A_334 : i32
      %jit3A_336 = arith.constant 1 : i32
      %select_n3A = arith.select %eq3A_335, %jit3A_336, %jit3A : i32
      %rem3A = arith.remsi %get3A_333, %select_n3A : i32
      %ne3A = arith.constant 0 : i32
      %ne3A_337 = arith.cmpi ne, %rem3A, %ne3A : i32
      %lt3A = arith.constant 0 : i32
      %lt3A_338 = arith.cmpi slt, %rem3A, %lt3A : i32
      %lt3A_339 = arith.constant 0 : i32
      %lt3A_340 = arith.cmpi slt, %select_n3A, %lt3A_339 : i32
      %ne3A_341 = arith.xori %lt3A_338, %lt3A_340 : i1
      %and3A = arith.andi %ne3A_341, %ne3A_337 : i1
      %add3A_342 = arith.addi %rem3A, %select_n3A : i32
      %select_n3A_343 = arith.select %and3A, %add3A_342, %rem3A : i32
      %eq3A_344 = vector.broadcast %select_n3A_343 : i32 to vector<1x128xi32>
      %eq3A_345 = arith.cmpi eq, %iota3A, %eq3A_344 : vector<1x128xi32>
      %convert_element_type3A_346 = arith.extui %eq3A_345 : vector<1x128xi1> to vector<1x128xi32>
      %convert_element_type3A_347 = arith.sitofp %convert_element_type3A_346 : vector<1x128xi32> to vector<1x128xf32>
      %get3A_348 = arith.constant 0 : index
      %get3A_349 = arith.constant 0 : index
      %get3A_350 = vector.load %arg2[%get3A_348, %get3A_349] : memref<64x128xf32, #tpu.memory_space<vmem>>, vector<64x128xf32>
      %mul3A_351 = vector.broadcast %convert_element_type3A_347 : vector<1x128xf32> to vector<64x128xf32>
      %mul3A_352 = arith.mulf %get3A_350, %mul3A_351 : vector<64x128xf32>
      %reduce_sum3A_353 = arith.constant dense<0.000000e+00> : vector<64xf32>
      %reduce_sum3A_354 = vector.multi_reduction <add>, %mul3A_352, %reduce_sum3A_353 [1] : vector<64x128xf32> to vector<64xf32>
      %broadcast_in_dim3A_355 = vector.shape_cast %reduce_sum3A_354 : vector<64xf32> to vector<64x1xf32>
      %swap3A_356 = arith.constant 0 : index
      %swap3A_357 = arith.constant 0 : index
      %swap3A_358 = vector.load %arg5[%swap3A_356, %swap3A_357] : memref<64x1xf32, #tpu.memory_space<vmem>>, vector<64x1xf32>
      tpu.vector_store %arg5[%swap3A_356, %swap3A_357], %broadcast_in_dim3A_355 {strides = array<i32>} : memref<64x1xf32, #tpu.memory_space<vmem>>, vector<64x1xf32>,
    } else {
    }
    %get3A = arith.constant 0 : index
    %get3A_2 = arith.constant 0 : index
    %get3A_3 = vector.load %arg5[%get3A, %get3A_2] : memref<64x1xf32, #tpu.memory_space<vmem>>, vector<64x1xf32>
    %get3A_4 = arith.constant 0 : index
    %get3A_5 = arith.constant 0 : index
    %get3A_6 = vector.load %arg3[%get3A_4, %get3A_5] : memref<64x32768xf32, #tpu.memory_space<vmem>>, vector<64x2048xf32>
    %mul3A = vector.broadcast %get3A_3 : vector<64x1xf32> to vector<64x2048xf32>
    %mul3A_7 = arith.mulf %get3A_6, %mul3A : vector<64x2048xf32>
    %reduce_sum3A = arith.constant dense<0.000000e+00> : vector<2048xf32>
    %reduce_sum3A_8 = vector.multi_reduction <add>, %mul3A_7, %reduce_sum3A [0] : vector<64x2048xf32> to vector<2048xf32>
    %broadcast_in_dim3A = vector.shape_cast %reduce_sum3A_8 : vector<2048xf32> to vector<1x2048xf32>
    %neg3A = arith.constant 0.000000e+00 : f32
    %neg3A_9 = vector.broadcast %neg3A : f32 to vector<1x2048xf32>
    %neg3A_10 = arith.subf %neg3A_9, %broadcast_in_dim3A : vector<1x2048xf32>
    %exp3A = math.exp %neg3A_10 : vector<1x2048xf32>
    %add3A = arith.constant 1.000000e+00 : f32
    %add3A_11 = vector.broadcast %add3A : f32 to vector<1x2048xf32>
    %add3A_12 = arith.addf %add3A_11, %exp3A : vector<1x2048xf32>
    %div3A = arith.constant 1.000000e+00 : f32
    %div3A_13 = vector.broadcast %div3A : f32 to vector<1x2048xf32>
    %div3A_14 = arith.divf %div3A_13, %add3A_12 : vector<1x2048xf32>
    %swap3A = arith.constant 0 : index
    %swap3A_15 = arith.constant 0 : index
    %swap3A_16 = vector.load %arg4[%swap3A, %swap3A_15] : memref<16x2048xf32, #tpu.memory_space<vmem>>, vector<1x2048xf32>
    tpu.vector_store %arg4[%swap3A, %swap3A_15], %div3A_14 {strides = array<i32>} : memref<16x2048xf32, #tpu.memory_space<vmem>>, vector<1x2048xf32>,
    %get3A_17 = arith.constant 0 : index
    %get3A_18 = arith.constant 2048 : index
    %get3A_19 = vector.load %arg3[%get3A_17, %get3A_18] : memref<64x32768xf32, #tpu.memory_space<vmem>>, vector<64x2048xf32>
    %mul3A_20 = vector.broadcast %get3A_3 : vector<64x1xf32> to vector<64x2048xf32>
    %mul3A_21 = arith.mulf %get3A_19, %mul3A_20 : vector<64x2048xf32>
    %reduce_sum3A_22 = arith.constant dense<0.000000e+00> : vector<2048xf32>
    %reduce_sum3A_23 = vector.multi_reduction <add>, %mul3A_21, %reduce_sum3A_22 [0] : vector<64x2048xf32> to vector<2048xf32>
    %broadcast_in_dim3A_24 = vector.shape_cast %reduce_sum3A_23 : vector<2048xf32> to vector<1x2048xf32>
    %neg3A_25 = arith.constant 0.000000e+00 : f32
    %neg3A_26 = vector.broadcast %neg3A_25 : f32 to vector<1x2048xf32>
    %neg3A_27 = arith.subf %neg3A_26, %broadcast_in_dim3A_24 : vector<1x2048xf32>
    %exp3A_28 = math.exp %neg3A_27 : vector<1x2048xf32>
    %add3A_29 = arith.constant 1.000000e+00 : f32
    %add3A_30 = vector.broadcast %add3A_29 : f32 to vector<1x2048xf32>
    %add3A_31 = arith.addf %add3A_30, %exp3A_28 : vector<1x2048xf32>
    %div3A_32 = arith.constant 1.000000e+00 : f32
    %div3A_33 = vector.broadcast %div3A_32 : f32 to vector<1x2048xf32>
    %div3A_34 = arith.divf %div3A_33, %add3A_31 : vector<1x2048xf32>
    %swap3A_35 = arith.constant 1 : index
    %swap3A_36 = arith.constant 0 : index
    %swap3A_37 = vector.load %arg4[%swap3A_35, %swap3A_36] : memref<16x2048xf32, #tpu.memory_space<vmem>>, vector<1x2048xf32>
    tpu.vector_store %arg4[%swap3A_35, %swap3A_36], %div3A_34 {strides = array<i32>} : memref<16x2048xf32, #tpu.memory_space<vmem>>, vector<1x2048xf32>,
    %get3A_38 = arith.constant 0 : index
    %get3A_39 = arith.constant 4096 : index
    %get3A_40 = vector.load %arg3[%get3A_38, %get3A_39] : memref<64x32768xf32, #tpu.memory_space<vmem>>, vector<64x2048xf32>
    %mul3A_41 = vector.broadcast %get3A_3 : vector<64x1xf32> to vector<64x2048xf32>
    %mul3A_42 = arith.mulf %get3A_40, %mul3A_41 : vector<64x2048xf32>
    %reduce_sum3A_43 = arith.constant dense<0.000000e+00> : vector<2048xf32>
    %reduce_sum3A_44 = vector.multi_reduction <add>, %mul3A_42, %reduce_sum3A_43 [0] : vector<64x2048xf32> to vector<2048xf32>
    %broadcast_in_dim3A_45 = vector.shape_cast %reduce_sum3A_44 : vector<2048xf32> to vector<1x2048xf32>
    %neg3A_46 = arith.constant 0.000000e+00 : f32
    %neg3A_47 = vector.broadcast %neg3A_46 : f32 to vector<1x2048xf32>
    %neg3A_48 = arith.subf %neg3A_47, %broadcast_in_dim3A_45 : vector<1x2048xf32>
    %exp3A_49 = math.exp %neg3A_48 : vector<1x2048xf32>
    %add3A_50 = arith.constant 1.000000e+00 : f32
    %add3A_51 = vector.broadcast %add3A_50 : f32 to vector<1x2048xf32>
    %add3A_52 = arith.addf %add3A_51, %exp3A_49 : vector<1x2048xf32>
    %div3A_53 = arith.constant 1.000000e+00 : f32
    %div3A_54 = vector.broadcast %div3A_53 : f32 to vector<1x2048xf32>
    %div3A_55 = arith.divf %div3A_54, %add3A_52 : vector<1x2048xf32>
    %swap3A_56 = arith.constant 2 : index
    %swap3A_57 = arith.constant 0 : index
    %swap3A_58 = vector.load %arg4[%swap3A_56, %swap3A_57] : memref<16x2048xf32, #tpu.memory_space<vmem>>, vector<1x2048xf32>
    tpu.vector_store %arg4[%swap3A_56, %swap3A_57], %div3A_55 {strides = array<i32>} : memref<16x2048xf32, #tpu.memory_space<vmem>>, vector<1x2048xf32>,
    %get3A_59 = arith.constant 0 : index
    %get3A_60 = arith.constant 6144 : index
    %get3A_61 = vector.load %arg3[%get3A_59, %get3A_60] : memref<64x32768xf32, #tpu.memory_space<vmem>>, vector<64x2048xf32>
    %mul3A_62 = vector.broadcast %get3A_3 : vector<64x1xf32> to vector<64x2048xf32>
    %mul3A_63 = arith.mulf %get3A_61, %mul3A_62 : vector<64x2048xf32>
    %reduce_sum3A_64 = arith.constant dense<0.000000e+00> : vector<2048xf32>
    %reduce_sum3A_65 = vector.multi_reduction <add>, %mul3A_63, %reduce_sum3A_64 [0] : vector<64x2048xf32> to vector<2048xf32>
    %broadcast_in_dim3A_66 = vector.shape_cast %reduce_sum3A_65 : vector<2048xf32> to vector<1x2048xf32>
    %neg3A_67 = arith.constant 0.000000e+00 : f32
    %neg3A_68 = vector.broadcast %neg3A_67 : f32 to vector<1x2048xf32>
    %neg3A_69 = arith.subf %neg3A_68, %broadcast_in_dim3A_66 : vector<1x2048xf32>
    %exp3A_70 = math.exp %neg3A_69 : vector<1x2048xf32>
    %add3A_71 = arith.constant 1.000000e+00 : f32
    %add3A_72 = vector.broadcast %add3A_71 : f32 to vector<1x2048xf32>
    %add3A_73 = arith.addf %add3A_72, %exp3A_70 : vector<1x2048xf32>
    %div3A_74 = arith.constant 1.000000e+00 : f32
    %div3A_75 = vector.broadcast %div3A_74 : f32 to vector<1x2048xf32>
    %div3A_76 = arith.divf %div3A_75, %add3A_73 : vector<1x2048xf32>
    %swap3A_77 = arith.constant 3 : index
    %swap3A_78 = arith.constant 0 : index
    %swap3A_79 = vector.load %arg4[%swap3A_77, %swap3A_78] : memref<16x2048xf32, #tpu.memory_space<vmem>>, vector<1x2048xf32>
    tpu.vector_store %arg4[%swap3A_77, %swap3A_78], %div3A_76 {strides = array<i32>} : memref<16x2048xf32, #tpu.memory_space<vmem>>, vector<1x2048xf32>,
    %get3A_80 = arith.constant 0 : index
    %get3A_81 = arith.constant 8192 : index
    %get3A_82 = vector.load %arg3[%get3A_80, %get3A_81] : memref<64x32768xf32, #tpu.memory_space<vmem>>, vector<64x2048xf32>
    %mul3A_83 = vector.broadcast %get3A_3 : vector<64x1xf32> to vector<64x2048xf32>
    %mul3A_84 = arith.mulf %get3A_82, %mul3A_83 : vector<64x2048xf32>
    %reduce_sum3A_85 = arith.constant dense<0.000000e+00> : vector<2048xf32>
    %reduce_sum3A_86 = vector.multi_reduction <add>, %mul3A_84, %reduce_sum3A_85 [0] : vector<64x2048xf32> to vector<2048xf32>
    %broadcast_in_dim3A_87 = vector.shape_cast %reduce_sum3A_86 : vector<2048xf32> to vector<1x2048xf32>
    %neg3A_88 = arith.constant 0.000000e+00 : f32
    %neg3A_89 = vector.broadcast %neg3A_88 : f32 to vector<1x2048xf32>
    %neg3A_90 = arith.subf %neg3A_89, %broadcast_in_dim3A_87 : vector<1x2048xf32>
    %exp3A_91 = math.exp %neg3A_90 : vector<1x2048xf32>
    %add3A_92 = arith.constant 1.000000e+00 : f32
    %add3A_93 = vector.broadcast %add3A_92 : f32 to vector<1x2048xf32>
    %add3A_94 = arith.addf %add3A_93, %exp3A_91 : vector<1x2048xf32>
    %div3A_95 = arith.constant 1.000000e+00 : f32
    %div3A_96 = vector.broadcast %div3A_95 : f32 to vector<1x2048xf32>
    %div3A_97 = arith.divf %div3A_96, %add3A_94 : vector<1x2048xf32>
    %swap3A_98 = arith.constant 4 : index
    %swap3A_99 = arith.constant 0 : index
    %swap3A_100 = vector.load %arg4[%swap3A_98, %swap3A_99] : memref<16x2048xf32, #tpu.memory_space<vmem>>, vector<1x2048xf32>
    tpu.vector_store %arg4[%swap3A_98, %swap3A_99], %div3A_97 {strides = array<i32>} : memref<16x2048xf32, #tpu.memory_space<vmem>>, vector<1x2048xf32>,
    %get3A_101 = arith.constant 0 : index
    %get3A_102 = arith.constant 10240 : index
    %get3A_103 = vector.load %arg3[%get3A_101, %get3A_102] : memref<64x32768xf32, #tpu.memory_space<vmem>>, vector<64x2048xf32>
    %mul3A_104 = vector.broadcast %get3A_3 : vector<64x1xf32> to vector<64x2048xf32>
    %mul3A_105 = arith.mulf %get3A_103, %mul3A_104 : vector<64x2048xf32>
    %reduce_sum3A_106 = arith.constant dense<0.000000e+00> : vector<2048xf32>
    %reduce_sum3A_107 = vector.multi_reduction <add>, %mul3A_105, %reduce_sum3A_106 [0] : vector<64x2048xf32> to vector<2048xf32>
    %broadcast_in_dim3A_108 = vector.shape_cast %reduce_sum3A_107 : vector<2048xf32> to vector<1x2048xf32>
    %neg3A_109 = arith.constant 0.000000e+00 : f32
    %neg3A_110 = vector.broadcast %neg3A_109 : f32 to vector<1x2048xf32>
    %neg3A_111 = arith.subf %neg3A_110, %broadcast_in_dim3A_108 : vector<1x2048xf32>
    %exp3A_112 = math.exp %neg3A_111 : vector<1x2048xf32>
    %add3A_113 = arith.constant 1.000000e+00 : f32
    %add3A_114 = vector.broadcast %add3A_113 : f32 to vector<1x2048xf32>
    %add3A_115 = arith.addf %add3A_114, %exp3A_112 : vector<1x2048xf32>
    %div3A_116 = arith.constant 1.000000e+00 : f32
    %div3A_117 = vector.broadcast %div3A_116 : f32 to vector<1x2048xf32>
    %div3A_118 = arith.divf %div3A_117, %add3A_115 : vector<1x2048xf32>
    %swap3A_119 = arith.constant 5 : index
    %swap3A_120 = arith.constant 0 : index
    %swap3A_121 = vector.load %arg4[%swap3A_119, %swap3A_120] : memref<16x2048xf32, #tpu.memory_space<vmem>>, vector<1x2048xf32>
    tpu.vector_store %arg4[%swap3A_119, %swap3A_120], %div3A_118 {strides = array<i32>} : memref<16x2048xf32, #tpu.memory_space<vmem>>, vector<1x2048xf32>,
    %get3A_122 = arith.constant 0 : index
    %get3A_123 = arith.constant 12288 : index
    %get3A_124 = vector.load %arg3[%get3A_122, %get3A_123] : memref<64x32768xf32, #tpu.memory_space<vmem>>, vector<64x2048xf32>
    %mul3A_125 = vector.broadcast %get3A_3 : vector<64x1xf32> to vector<64x2048xf32>
    %mul3A_126 = arith.mulf %get3A_124, %mul3A_125 : vector<64x2048xf32>
    %reduce_sum3A_127 = arith.constant dense<0.000000e+00> : vector<2048xf32>
    %reduce_sum3A_128 = vector.multi_reduction <add>, %mul3A_126, %reduce_sum3A_127 [0] : vector<64x2048xf32> to vector<2048xf32>
    %broadcast_in_dim3A_129 = vector.shape_cast %reduce_sum3A_128 : vector<2048xf32> to vector<1x2048xf32>
    %neg3A_130 = arith.constant 0.000000e+00 : f32
    %neg3A_131 = vector.broadcast %neg3A_130 : f32 to vector<1x2048xf32>
    %neg3A_132 = arith.subf %neg3A_131, %broadcast_in_dim3A_129 : vector<1x2048xf32>
    %exp3A_133 = math.exp %neg3A_132 : vector<1x2048xf32>
    %add3A_134 = arith.constant 1.000000e+00 : f32
    %add3A_135 = vector.broadcast %add3A_134 : f32 to vector<1x2048xf32>
    %add3A_136 = arith.addf %add3A_135, %exp3A_133 : vector<1x2048xf32>
    %div3A_137 = arith.constant 1.000000e+00 : f32
    %div3A_138 = vector.broadcast %div3A_137 : f32 to vector<1x2048xf32>
    %div3A_139 = arith.divf %div3A_138, %add3A_136 : vector<1x2048xf32>
    %swap3A_140 = arith.constant 6 : index
    %swap3A_141 = arith.constant 0 : index
    %swap3A_142 = vector.load %arg4[%swap3A_140, %swap3A_141] : memref<16x2048xf32, #tpu.memory_space<vmem>>, vector<1x2048xf32>
    tpu.vector_store %arg4[%swap3A_140, %swap3A_141], %div3A_139 {strides = array<i32>} : memref<16x2048xf32, #tpu.memory_space<vmem>>, vector<1x2048xf32>,
    %get3A_143 = arith.constant 0 : index
    %get3A_144 = arith.constant 14336 : index
    %get3A_145 = vector.load %arg3[%get3A_143, %get3A_144] : memref<64x32768xf32, #tpu.memory_space<vmem>>, vector<64x2048xf32>
    %mul3A_146 = vector.broadcast %get3A_3 : vector<64x1xf32> to vector<64x2048xf32>
    %mul3A_147 = arith.mulf %get3A_145, %mul3A_146 : vector<64x2048xf32>
    %reduce_sum3A_148 = arith.constant dense<0.000000e+00> : vector<2048xf32>
    %reduce_sum3A_149 = vector.multi_reduction <add>, %mul3A_147, %reduce_sum3A_148 [0] : vector<64x2048xf32> to vector<2048xf32>
    %broadcast_in_dim3A_150 = vector.shape_cast %reduce_sum3A_149 : vector<2048xf32> to vector<1x2048xf32>
    %neg3A_151 = arith.constant 0.000000e+00 : f32
    %neg3A_152 = vector.broadcast %neg3A_151 : f32 to vector<1x2048xf32>
    %neg3A_153 = arith.subf %neg3A_152, %broadcast_in_dim3A_150 : vector<1x2048xf32>
    %exp3A_154 = math.exp %neg3A_153 : vector<1x2048xf32>
    %add3A_155 = arith.constant 1.000000e+00 : f32
    %add3A_156 = vector.broadcast %add3A_155 : f32 to vector<1x2048xf32>
    %add3A_157 = arith.addf %add3A_156, %exp3A_154 : vector<1x2048xf32>
    %div3A_158 = arith.constant 1.000000e+00 : f32
    %div3A_159 = vector.broadcast %div3A_158 : f32 to vector<1x2048xf32>
    %div3A_160 = arith.divf %div3A_159, %add3A_157 : vector<1x2048xf32>
    %swap3A_161 = arith.constant 7 : index
    %swap3A_162 = arith.constant 0 : index
    %swap3A_163 = vector.load %arg4[%swap3A_161, %swap3A_162] : memref<16x2048xf32, #tpu.memory_space<vmem>>, vector<1x2048xf32>
    tpu.vector_store %arg4[%swap3A_161, %swap3A_162], %div3A_160 {strides = array<i32>} : memref<16x2048xf32, #tpu.memory_space<vmem>>, vector<1x2048xf32>,
    %get3A_164 = arith.constant 0 : index
    %get3A_165 = arith.constant 16384 : index
    %get3A_166 = vector.load %arg3[%get3A_164, %get3A_165] : memref<64x32768xf32, #tpu.memory_space<vmem>>, vector<64x2048xf32>
    %mul3A_167 = vector.broadcast %get3A_3 : vector<64x1xf32> to vector<64x2048xf32>
    %mul3A_168 = arith.mulf %get3A_166, %mul3A_167 : vector<64x2048xf32>
    %reduce_sum3A_169 = arith.constant dense<0.000000e+00> : vector<2048xf32>
    %reduce_sum3A_170 = vector.multi_reduction <add>, %mul3A_168, %reduce_sum3A_169 [0] : vector<64x2048xf32> to vector<2048xf32>
    %broadcast_in_dim3A_171 = vector.shape_cast %reduce_sum3A_170 : vector<2048xf32> to vector<1x2048xf32>
    %neg3A_172 = arith.constant 0.000000e+00 : f32
    %neg3A_173 = vector.broadcast %neg3A_172 : f32 to vector<1x2048xf32>
    %neg3A_174 = arith.subf %neg3A_173, %broadcast_in_dim3A_171 : vector<1x2048xf32>
    %exp3A_175 = math.exp %neg3A_174 : vector<1x2048xf32>
    %add3A_176 = arith.constant 1.000000e+00 : f32
    %add3A_177 = vector.broadcast %add3A_176 : f32 to vector<1x2048xf32>
    %add3A_178 = arith.addf %add3A_177, %exp3A_175 : vector<1x2048xf32>
    %div3A_179 = arith.constant 1.000000e+00 : f32
    %div3A_180 = vector.broadcast %div3A_179 : f32 to vector<1x2048xf32>
    %div3A_181 = arith.divf %div3A_180, %add3A_178 : vector<1x2048xf32>
    %swap3A_182 = arith.constant 8 : index
    %swap3A_183 = arith.constant 0 : index
    %swap3A_184 = vector.load %arg4[%swap3A_182, %swap3A_183] : memref<16x2048xf32, #tpu.memory_space<vmem>>, vector<1x2048xf32>
    tpu.vector_store %arg4[%swap3A_182, %swap3A_183], %div3A_181 {strides = array<i32>} : memref<16x2048xf32, #tpu.memory_space<vmem>>, vector<1x2048xf32>,
    %get3A_185 = arith.constant 0 : index
    %get3A_186 = arith.constant 18432 : index
    %get3A_187 = vector.load %arg3[%get3A_185, %get3A_186] : memref<64x32768xf32, #tpu.memory_space<vmem>>, vector<64x2048xf32>
    %mul3A_188 = vector.broadcast %get3A_3 : vector<64x1xf32> to vector<64x2048xf32>
    %mul3A_189 = arith.mulf %get3A_187, %mul3A_188 : vector<64x2048xf32>
    %reduce_sum3A_190 = arith.constant dense<0.000000e+00> : vector<2048xf32>
    %reduce_sum3A_191 = vector.multi_reduction <add>, %mul3A_189, %reduce_sum3A_190 [0] : vector<64x2048xf32> to vector<2048xf32>
    %broadcast_in_dim3A_192 = vector.shape_cast %reduce_sum3A_191 : vector<2048xf32> to vector<1x2048xf32>
    %neg3A_193 = arith.constant 0.000000e+00 : f32
    %neg3A_194 = vector.broadcast %neg3A_193 : f32 to vector<1x2048xf32>
    %neg3A_195 = arith.subf %neg3A_194, %broadcast_in_dim3A_192 : vector<1x2048xf32>
    %exp3A_196 = math.exp %neg3A_195 : vector<1x2048xf32>
    %add3A_197 = arith.constant 1.000000e+00 : f32
    %add3A_198 = vector.broadcast %add3A_197 : f32 to vector<1x2048xf32>
    %add3A_199 = arith.addf %add3A_198, %exp3A_196 : vector<1x2048xf32>
    %div3A_200 = arith.constant 1.000000e+00 : f32
    %div3A_201 = vector.broadcast %div3A_200 : f32 to vector<1x2048xf32>
    %div3A_202 = arith.divf %div3A_201, %add3A_199 : vector<1x2048xf32>
    %swap3A_203 = arith.constant 9 : index
    %swap3A_204 = arith.constant 0 : index
    %swap3A_205 = vector.load %arg4[%swap3A_203, %swap3A_204] : memref<16x2048xf32, #tpu.memory_space<vmem>>, vector<1x2048xf32>
    tpu.vector_store %arg4[%swap3A_203, %swap3A_204], %div3A_202 {strides = array<i32>} : memref<16x2048xf32, #tpu.memory_space<vmem>>, vector<1x2048xf32>,
    %get3A_206 = arith.constant 0 : index
    %get3A_207 = arith.constant 20480 : index
    %get3A_208 = vector.load %arg3[%get3A_206, %get3A_207] : memref<64x32768xf32, #tpu.memory_space<vmem>>, vector<64x2048xf32>
    %mul3A_209 = vector.broadcast %get3A_3 : vector<64x1xf32> to vector<64x2048xf32>
    %mul3A_210 = arith.mulf %get3A_208, %mul3A_209 : vector<64x2048xf32>
    %reduce_sum3A_211 = arith.constant dense<0.000000e+00> : vector<2048xf32>
    %reduce_sum3A_212 = vector.multi_reduction <add>, %mul3A_210, %reduce_sum3A_211 [0] : vector<64x2048xf32> to vector<2048xf32>
    %broadcast_in_dim3A_213 = vector.shape_cast %reduce_sum3A_212 : vector<2048xf32> to vector<1x2048xf32>
    %neg3A_214 = arith.constant 0.000000e+00 : f32
    %neg3A_215 = vector.broadcast %neg3A_214 : f32 to vector<1x2048xf32>
    %neg3A_216 = arith.subf %neg3A_215, %broadcast_in_dim3A_213 : vector<1x2048xf32>
    %exp3A_217 = math.exp %neg3A_216 : vector<1x2048xf32>
    %add3A_218 = arith.constant 1.000000e+00 : f32
    %add3A_219 = vector.broadcast %add3A_218 : f32 to vector<1x2048xf32>
    %add3A_220 = arith.addf %add3A_219, %exp3A_217 : vector<1x2048xf32>
    %div3A_221 = arith.constant 1.000000e+00 : f32
    %div3A_222 = vector.broadcast %div3A_221 : f32 to vector<1x2048xf32>
    %div3A_223 = arith.divf %div3A_222, %add3A_220 : vector<1x2048xf32>
    %swap3A_224 = arith.constant 10 : index
    %swap3A_225 = arith.constant 0 : index
    %swap3A_226 = vector.load %arg4[%swap3A_224, %swap3A_225] : memref<16x2048xf32, #tpu.memory_space<vmem>>, vector<1x2048xf32>
    tpu.vector_store %arg4[%swap3A_224, %swap3A_225], %div3A_223 {strides = array<i32>} : memref<16x2048xf32, #tpu.memory_space<vmem>>, vector<1x2048xf32>,
    %get3A_227 = arith.constant 0 : index
    %get3A_228 = arith.constant 22528 : index
    %get3A_229 = vector.load %arg3[%get3A_227, %get3A_228] : memref<64x32768xf32, #tpu.memory_space<vmem>>, vector<64x2048xf32>
    %mul3A_230 = vector.broadcast %get3A_3 : vector<64x1xf32> to vector<64x2048xf32>
    %mul3A_231 = arith.mulf %get3A_229, %mul3A_230 : vector<64x2048xf32>
    %reduce_sum3A_232 = arith.constant dense<0.000000e+00> : vector<2048xf32>
    %reduce_sum3A_233 = vector.multi_reduction <add>, %mul3A_231, %reduce_sum3A_232 [0] : vector<64x2048xf32> to vector<2048xf32>
    %broadcast_in_dim3A_234 = vector.shape_cast %reduce_sum3A_233 : vector<2048xf32> to vector<1x2048xf32>
    %neg3A_235 = arith.constant 0.000000e+00 : f32
    %neg3A_236 = vector.broadcast %neg3A_235 : f32 to vector<1x2048xf32>
    %neg3A_237 = arith.subf %neg3A_236, %broadcast_in_dim3A_234 : vector<1x2048xf32>
    %exp3A_238 = math.exp %neg3A_237 : vector<1x2048xf32>
    %add3A_239 = arith.constant 1.000000e+00 : f32
    %add3A_240 = vector.broadcast %add3A_239 : f32 to vector<1x2048xf32>
    %add3A_241 = arith.addf %add3A_240, %exp3A_238 : vector<1x2048xf32>
    %div3A_242 = arith.constant 1.000000e+00 : f32
    %div3A_243 = vector.broadcast %div3A_242 : f32 to vector<1x2048xf32>
    %div3A_244 = arith.divf %div3A_243, %add3A_241 : vector<1x2048xf32>
    %swap3A_245 = arith.constant 11 : index
    %swap3A_246 = arith.constant 0 : index
    %swap3A_247 = vector.load %arg4[%swap3A_245, %swap3A_246] : memref<16x2048xf32, #tpu.memory_space<vmem>>, vector<1x2048xf32>
    tpu.vector_store %arg4[%swap3A_245, %swap3A_246], %div3A_244 {strides = array<i32>} : memref<16x2048xf32, #tpu.memory_space<vmem>>, vector<1x2048xf32>,
    %get3A_248 = arith.constant 0 : index
    %get3A_249 = arith.constant 24576 : index
    %get3A_250 = vector.load %arg3[%get3A_248, %get3A_249] : memref<64x32768xf32, #tpu.memory_space<vmem>>, vector<64x2048xf32>
    %mul3A_251 = vector.broadcast %get3A_3 : vector<64x1xf32> to vector<64x2048xf32>
    %mul3A_252 = arith.mulf %get3A_250, %mul3A_251 : vector<64x2048xf32>
    %reduce_sum3A_253 = arith.constant dense<0.000000e+00> : vector<2048xf32>
    %reduce_sum3A_254 = vector.multi_reduction <add>, %mul3A_252, %reduce_sum3A_253 [0] : vector<64x2048xf32> to vector<2048xf32>
    %broadcast_in_dim3A_255 = vector.shape_cast %reduce_sum3A_254 : vector<2048xf32> to vector<1x2048xf32>
    %neg3A_256 = arith.constant 0.000000e+00 : f32
    %neg3A_257 = vector.broadcast %neg3A_256 : f32 to vector<1x2048xf32>
    %neg3A_258 = arith.subf %neg3A_257, %broadcast_in_dim3A_255 : vector<1x2048xf32>
    %exp3A_259 = math.exp %neg3A_258 : vector<1x2048xf32>
    %add3A_260 = arith.constant 1.000000e+00 : f32
    %add3A_261 = vector.broadcast %add3A_260 : f32 to vector<1x2048xf32>
    %add3A_262 = arith.addf %add3A_261, %exp3A_259 : vector<1x2048xf32>
    %div3A_263 = arith.constant 1.000000e+00 : f32
    %div3A_264 = vector.broadcast %div3A_263 : f32 to vector<1x2048xf32>
    %div3A_265 = arith.divf %div3A_264, %add3A_262 : vector<1x2048xf32>
    %swap3A_266 = arith.constant 12 : index
    %swap3A_267 = arith.constant 0 : index
    %swap3A_268 = vector.load %arg4[%swap3A_266, %swap3A_267] : memref<16x2048xf32, #tpu.memory_space<vmem>>, vector<1x2048xf32>
    tpu.vector_store %arg4[%swap3A_266, %swap3A_267], %div3A_265 {strides = array<i32>} : memref<16x2048xf32, #tpu.memory_space<vmem>>, vector<1x2048xf32>,
    %get3A_269 = arith.constant 0 : index
    %get3A_270 = arith.constant 26624 : index
    %get3A_271 = vector.load %arg3[%get3A_269, %get3A_270] : memref<64x32768xf32, #tpu.memory_space<vmem>>, vector<64x2048xf32>
    %mul3A_272 = vector.broadcast %get3A_3 : vector<64x1xf32> to vector<64x2048xf32>
    %mul3A_273 = arith.mulf %get3A_271, %mul3A_272 : vector<64x2048xf32>
    %reduce_sum3A_274 = arith.constant dense<0.000000e+00> : vector<2048xf32>
    %reduce_sum3A_275 = vector.multi_reduction <add>, %mul3A_273, %reduce_sum3A_274 [0] : vector<64x2048xf32> to vector<2048xf32>
    %broadcast_in_dim3A_276 = vector.shape_cast %reduce_sum3A_275 : vector<2048xf32> to vector<1x2048xf32>
    %neg3A_277 = arith.constant 0.000000e+00 : f32
    %neg3A_278 = vector.broadcast %neg3A_277 : f32 to vector<1x2048xf32>
    %neg3A_279 = arith.subf %neg3A_278, %broadcast_in_dim3A_276 : vector<1x2048xf32>
    %exp3A_280 = math.exp %neg3A_279 : vector<1x2048xf32>
    %add3A_281 = arith.constant 1.000000e+00 : f32
    %add3A_282 = vector.broadcast %add3A_281 : f32 to vector<1x2048xf32>
    %add3A_283 = arith.addf %add3A_282, %exp3A_280 : vector<1x2048xf32>
    %div3A_284 = arith.constant 1.000000e+00 : f32
    %div3A_285 = vector.broadcast %div3A_284 : f32 to vector<1x2048xf32>
    %div3A_286 = arith.divf %div3A_285, %add3A_283 : vector<1x2048xf32>
    %swap3A_287 = arith.constant 13 : index
    %swap3A_288 = arith.constant 0 : index
    %swap3A_289 = vector.load %arg4[%swap3A_287, %swap3A_288] : memref<16x2048xf32, #tpu.memory_space<vmem>>, vector<1x2048xf32>
    tpu.vector_store %arg4[%swap3A_287, %swap3A_288], %div3A_286 {strides = array<i32>} : memref<16x2048xf32, #tpu.memory_space<vmem>>, vector<1x2048xf32>,
    %get3A_290 = arith.constant 0 : index
    %get3A_291 = arith.constant 28672 : index
    %get3A_292 = vector.load %arg3[%get3A_290, %get3A_291] : memref<64x32768xf32, #tpu.memory_space<vmem>>, vector<64x2048xf32>
    %mul3A_293 = vector.broadcast %get3A_3 : vector<64x1xf32> to vector<64x2048xf32>
    %mul3A_294 = arith.mulf %get3A_292, %mul3A_293 : vector<64x2048xf32>
    %reduce_sum3A_295 = arith.constant dense<0.000000e+00> : vector<2048xf32>
    %reduce_sum3A_296 = vector.multi_reduction <add>, %mul3A_294, %reduce_sum3A_295 [0] : vector<64x2048xf32> to vector<2048xf32>
    %broadcast_in_dim3A_297 = vector.shape_cast %reduce_sum3A_296 : vector<2048xf32> to vector<1x2048xf32>
    %neg3A_298 = arith.constant 0.000000e+00 : f32
    %neg3A_299 = vector.broadcast %neg3A_298 : f32 to vector<1x2048xf32>
    %neg3A_300 = arith.subf %neg3A_299, %broadcast_in_dim3A_297 : vector<1x2048xf32>
    %exp3A_301 = math.exp %neg3A_300 : vector<1x2048xf32>
    %add3A_302 = arith.constant 1.000000e+00 : f32
    %add3A_303 = vector.broadcast %add3A_302 : f32 to vector<1x2048xf32>
    %add3A_304 = arith.addf %add3A_303, %exp3A_301 : vector<1x2048xf32>
    %div3A_305 = arith.constant 1.000000e+00 : f32
    %div3A_306 = vector.broadcast %div3A_305 : f32 to vector<1x2048xf32>
    %div3A_307 = arith.divf %div3A_306, %add3A_304 : vector<1x2048xf32>
    %swap3A_308 = arith.constant 14 : index
    %swap3A_309 = arith.constant 0 : index
    %swap3A_310 = vector.load %arg4[%swap3A_308, %swap3A_309] : memref<16x2048xf32, #tpu.memory_space<vmem>>, vector<1x2048xf32>
    tpu.vector_store %arg4[%swap3A_308, %swap3A_309], %div3A_307 {strides = array<i32>} : memref<16x2048xf32, #tpu.memory_space<vmem>>, vector<1x2048xf32>,
    %get3A_311 = arith.constant 0 : index
    %get3A_312 = arith.constant 30720 : index
    %get3A_313 = vector.load %arg3[%get3A_311, %get3A_312] : memref<64x32768xf32, #tpu.memory_space<vmem>>, vector<64x2048xf32>
    %mul3A_314 = vector.broadcast %get3A_3 : vector<64x1xf32> to vector<64x2048xf32>
    %mul3A_315 = arith.mulf %get3A_313, %mul3A_314 : vector<64x2048xf32>
    %reduce_sum3A_316 = arith.constant dense<0.000000e+00> : vector<2048xf32>
    %reduce_sum3A_317 = vector.multi_reduction <add>, %mul3A_315, %reduce_sum3A_316 [0] : vector<64x2048xf32> to vector<2048xf32>
    %broadcast_in_dim3A_318 = vector.shape_cast %reduce_sum3A_317 : vector<2048xf32> to vector<1x2048xf32>
    %neg3A_319 = arith.constant 0.000000e+00 : f32
    %neg3A_320 = vector.broadcast %neg3A_319 : f32 to vector<1x2048xf32>
    %neg3A_321 = arith.subf %neg3A_320, %broadcast_in_dim3A_318 : vector<1x2048xf32>
    %exp3A_322 = math.exp %neg3A_321 : vector<1x2048xf32>
    %add3A_323 = arith.constant 1.000000e+00 : f32
    %add3A_324 = vector.broadcast %add3A_323 : f32 to vector<1x2048xf32>
    %add3A_325 = arith.addf %add3A_324, %exp3A_322 : vector<1x2048xf32>
    %div3A_326 = arith.constant 1.000000e+00 : f32
    %div3A_327 = vector.broadcast %div3A_326 : f32 to vector<1x2048xf32>
    %div3A_328 = arith.divf %div3A_327, %add3A_325 : vector<1x2048xf32>
    %swap3A_329 = arith.constant 15 : index
    %swap3A_330 = arith.constant 0 : index
    %swap3A_331 = vector.load %arg4[%swap3A_329, %swap3A_330] : memref<16x2048xf32, #tpu.memory_space<vmem>>, vector<1x2048xf32>
    tpu.vector_store %arg4[%swap3A_329, %swap3A_330], %div3A_328 {strides = array<i32>} : memref<16x2048xf32, #tpu.memory_space<vmem>>, vector<1x2048xf32>,
    return
  }
  func.func @transform_0(%arg0: i32, %arg1: memref<1xi32, #tpu.memory_space<smem>>) -> (i32, i32) {
    %get3A = arith.constant 0 : index
    %get3A_0 = memref.load %arg1[%get3A] : memref<1xi32, #tpu.memory_space<smem>>
    %jit3A = arith.constant 128 : i32
    %div3A = arith.divsi %get3A_0, %jit3A : i32
    %sign3A = arith.constant 0 : i32
    %sign3A_1 = arith.cmpi sgt, %get3A_0, %sign3A : i32
    %sign3A_2 = arith.extui %sign3A_1 : i1 to i32
    %sign3A_3 = arith.constant 0 : i32
    %sign3A_4 = arith.cmpi slt, %get3A_0, %sign3A_3 : i32
    %sign3A_5 = arith.extui %sign3A_4 : i1 to i32
    %sign3A_6 = arith.subi %sign3A_2, %sign3A_5 : i32
    %sign3A_7 = arith.constant 0 : i32
    %sign3A_8 = arith.cmpi sgt, %jit3A, %sign3A_7 : i32
    %sign3A_9 = arith.extui %sign3A_8 : i1 to i32
    %sign3A_10 = arith.constant 0 : i32
    %sign3A_11 = arith.cmpi slt, %jit3A, %sign3A_10 : i32
    %sign3A_12 = arith.extui %sign3A_11 : i1 to i32
    %sign3A_13 = arith.subi %sign3A_9, %sign3A_12 : i32
    %ne3A = arith.cmpi ne, %sign3A_6, %sign3A_13 : i32
    %rem3A = arith.remsi %get3A_0, %jit3A : i32
    %ne3A_14 = arith.constant 0 : i32
    %ne3A_15 = arith.cmpi ne, %rem3A, %ne3A_14 : i32
    %and3A = arith.andi %ne3A, %ne3A_15 : i1
    %sub3A = arith.constant 1 : i32
    %sub3A_16 = arith.subi %div3A, %sub3A : i32
    %select_n3A = arith.select %and3A, %sub3A_16, %div3A : i32
    %c0_i32 = arith.constant 0 : i32
    %c0_i32_17 = arith.constant 0 : i32
    return %c0_i32, %select_n3A : i32, i32
  }
  func.func @transform_1(%arg0: i32, %arg1: memref<1xi32, #tpu.memory_space<smem>>) -> (i32, i32) {
    %c0_i32 = arith.constant 0 : i32
    %c0_i32_0 = arith.constant 0 : i32
    return %c0_i32, %arg0 : i32, i32
  }
  func.func @transform_2(%arg0: i32, %arg1: memref<1xi32, #tpu.memory_space<smem>>) -> (i32, i32) {
    %c0_i32 = arith.constant 0 : i32
    %c0_i32_0 = arith.constant 0 : i32
    return %arg0, %c0_i32 : i32, i32
  }
}

</mosaic_0001>

<sc_bundles>
// kernel: kernel.4.cloned.1.call-start
scs
__scs_entry_jumppad:
0x0: {  	(pc) =	sbr.rel $0x88, $3  }
0x1: {  	(tag) =	ssettag $0x0;
	lr =	simm.s32 $0x1  }
0x2: {  	[smem:$0x3F9C] =	sst lr;
	_ =	strace $0xD0000000  }
0x3: {  	_ = 	snop  }
0x4: {  	_ = 	snop  }
0x5: {  	_ = 	snop  }
0x6: {  	_ = 	snop  }
0x7: {  	_ = 	snop  }
__scs_overlays_trampoline_lowered:
0x8: {  	[smem:$0x3FAB] =	sst s0  }
0x9: {  	[smem:$0x3FAC] =	sst s1  }
0xa: {  	[smem:$0x3FAD] =	sst s2  }
0xb: {  	[smem:$0x3FAE] =	sst s3  }
0xc: {  	[smem:$0x3FAF] =	sst s4  }
0xd: {  	[smem:$0x3FB0] =	sst s5  }
0xe: {  	[smem:$0x3FB1] =	sst s6  }
0xf: {  	[smem:$0x3FB2] =	sst s7  }
0x10: {  	[smem:$0x3FB3] =	sst s8  }
0x11: {  	[smem:$0x3FB4] =	sst s9;
	s0 =	simm.s32 @!p0 $0x0  }
0x12: {  	s1 =	sld [smem:$0x3F9A];
	s0 =	simm.s32 @p0 $0x1  }
0x13: {  	[smem:$0x3FB5] =	sst s0;
	s0 =	simm.s32 @!p1 $0x0  }
0x14: {  	s2 =	sld [smem:$0x3F99];
	s0 =	simm.s32 @p1 $0x1  }
0x15: {  	[smem:$0x3FB6] =	sst s0;
	s0 =	simm.s32 @!p2 $0x0  }
0x16: {  	s3 =	sld [smem:$0x3FDB];
	s0 =	simm.s32 @p2 $0x1  }
0x17: {  	s4 =	simm.s32 $0x1BF5;
	[smem:$0x3FB8] =	sst s0  }
0x18: {  	s0 =	sld [smem:$0x3F9B];
	_ =	swait.ge [sflag:s4], $0x0  }
0x19: {  	s7 =	sld [smem:$0x3F9C]  }
0x1a: {  	s8 =	sadd.s32 $0xFFFFE003, lr  }
0x1b: {  	s9 =	sadd.s32 $0xFFFFFEF7, lr;
	s5 =	simm.s32 $0xFFFFFFFF;
	p2 =	slt.u32 s8, $0xFFFFF086  }
0x1c: {  	p1 =	slt.u32 s9, $0xF7A;
	s5 =	simm.s32 @!p2 $0x0  }
0x1d: {  	s5 =	simm.s32 @p1 $0x1;
	p0 =	seq.s32 s7, s2  }
0x1e: {  	s7 =	smul.u32 @!p0 $0xF7A, s2;
	p2 =	seq.s32 @!p0 s5, $0x0  }
0x1f: {  	s9 =	smul.u32 $0xF7A, s1;
	s8 =	simm.s32 @!p0 $0x1BF5;
	p2 =	por !p2, p0  }
0x20: {  	[sflag:s8] =	ssyncset.s32 @!p0 $0xFFFFF086;
	s6 =	sadd.s32 @!p0 s3, s7;
	s7 =	simm.s32 @!p0 $0x108  }
0x21: {  	s3 =	sadd.s32 s3, s9;
	s6 =	sadd.s32 @!p0 $0x88, s6;
	s7 =	simm.s32 @p2 $0x1082  }
0x22: {  	[simem:s7], [sflag:s8] =	dma.local @!p0 [hbm:s6], $0xF7A  }
0x23: {  	s9 =	sor.u32 $0xD0000000, s2;
	s6 =	simm.s32 $0x108;
	_ =	swait.ge @!p0 [sflag:s8], $0x0  }
0x24: {  	s3 =	sadd.s32 $0x88, s3;
	s6 =	simm.s32 @!p1 $0x1082;
	[sflag:s4] =	ssyncset.s32 $0xFFFFF086  }
0x25: {  	[simem:s6], [sflag:s4] =	dma.local [hbm:s3], $0xF7A  }
0x26: {  	[smem:$0x3F9C] =	sst s1;
	(tag) =	ssettag s2;
	_ =	strace s9  }
0x27: {  	s1 =	sld [smem:$0x3FAC]  }
0x28: {  	s2 =	sld [smem:$0x3FAD]  }
0x29: {  	s4 =	sld [smem:$0x3FAF]  }
0x2a: {  	p0 =	seq.s32 s5, $0x0;
	s5 =	sld [smem:$0x3FB0]  }
0x2b: {  	s6 =	sld [smem:$0x3FB1]  }
0x2c: {  	s7 =	sld [smem:$0x3FB2]  }
0x2d: {  	s3 =	simm.s32 $0x108;
	s8 =	sld [smem:$0x3FB3]  }
0x2e: {  	s3 =	simm.s32 @!p0 $0x1082;
	s9 =	sld [smem:$0x3FB4]  }
0x2f: {  	lr =	sadd.s32 s0, s3;
	s0 =	sld [smem:$0x3FAB]  }
0x30: {  	s3 =	sld [smem:$0x3FAE]  }
0x31: {  	[smem:$0x3FB7] =	sst s10  }
0x32: {  	s10 =	sld [smem:$0x3FB5];
	_ =	sdelay $0x3  }
0x33: {  	p0 =	seq.s32 s10, $0x1;
	s10 =	sld [smem:$0x3FB7];
	_ =	sdelay $0x3  }
0x34: {  	[smem:$0x3FB7] =	sst s10  }
0x35: {  	s10 =	sld [smem:$0x3FB6];
	_ =	sdelay $0x3  }
0x36: {  	p1 =	seq.s32 s10, $0x1;
	s10 =	sld [smem:$0x3FB7];
	_ =	sdelay $0x3  }
0x37: {  	[smem:$0x3FB7] =	sst s10  }
0x38: {  	s10 =	sld [smem:$0x3FB8]  }
0x39: {  	_ = 	snop;
	(pc) =	sbr.ind lr, $3  }
0x3a: {  	_ = 	snop  }
0x3b: {  	_ = 	snop  }
0x3c: {  	p2 =	seq.s32 s10, $0x1;
	s10 =	sld [smem:$0x3FB7]  }
0x3d: {  	_ =	shalt  }
0x3e: {  	_ =	shalt  }
0x3f: {  	_ =	shalt  }
0x40: {  	_ =	shalt  }
0x41: {  	_ =	shalt  }
0x42: {  	_ =	shalt  }
0x43: {  	_ =	shalt  }
0x44: {  	_ =	shalt  }
0x45: {  	_ =	shalt  }
0x46: {  	_ =	shalt  }
0x47: {  	_ =	shalt  }
0x48: {  	_ =	shalt  }
0x49: {  	_ =	shalt  }
0x4a: {  	_ =	shalt  }
0x4b: {  	_ =	shalt  }
0x4c: {  	_ =	shalt  }
0x4d: {  	_ =	shalt  }
0x4e: {  	_ =	shalt  }
0x4f: {  	_ =	shalt  }
0x50: {  	_ =	shalt  }
0x51: {  	_ =	shalt  }
0x52: {  	_ =	shalt  }
0x53: {  	_ =	shalt  }
0x54: {  	_ =	shalt  }
0x55: {  	_ =	shalt  }
0x56: {  	_ =	shalt  }
0x57: {  	_ =	shalt  }
0x58: {  	_ =	shalt  }
0x59: {  	_ =	shalt  }
0x5a: {  	_ =	shalt  }
0x5b: {  	_ =	shalt  }
0x5c: {  	_ =	shalt  }
0x5d: {  	_ =	shalt  }
0x5e: {  	_ =	shalt  }
0x5f: {  	_ =	shalt  }
0x60: {  	_ =	shalt  }
0x61: {  	_ =	shalt  }
0x62: {  	_ =	shalt  }
0x63: {  	_ =	shalt  }
0x64: {  	_ =	shalt  }
0x65: {  	_ =	shalt  }
0x66: {  	_ =	shalt  }
0x67: {  	_ =	shalt  }
0x68: {  	_ =	shalt  }
0x69: {  	_ =	shalt  }
0x6a: {  	_ =	shalt  }
0x6b: {  	_ =	shalt  }
0x6c: {  	_ =	shalt  }
0x6d: {  	_ =	shalt  }
0x6e: {  	_ =	shalt  }
0x6f: {  	_ =	shalt  }
0x70: {  	_ =	shalt  }
0x71: {  	_ =	shalt  }
0x72: {  	_ =	shalt  }
0x73: {  	_ =	shalt  }
0x74: {  	_ =	shalt  }
0x75: {  	_ =	shalt  }
0x76: {  	_ =	shalt  }
0x77: {  	_ =	shalt  }
0x78: {  	_ =	shalt  }
0x79: {  	_ =	shalt  }
0x7a: {  	_ =	shalt  }
0x7b: {  	_ =	shalt  }
0x7c: {  	_ =	shalt  }
0x7d: {  	_ =	shalt  }
0x7e: {  	_ =	shalt  }
0x7f: {  	_ =	shalt  }
0x80: {  	_ =	shalt  }
0x81: {  	_ =	shalt  }
0x82: {  	_ =	shalt  }
0x83: {  	_ =	shalt  }
0x84: {  	_ =	shalt  }
0x85: {  	_ =	shalt  }
0x86: {  	_ =	shalt  }
0x87: {  	_ =	shalt  }
.Lfunc_end0:
.L_simem_size_0:
called_computation_lowered:
.L_overlay_start_0:
0x88: {  	s2 =	sld [smem:$0x3FD9]  }
0x89: {  	s3 =	sld [smem:$0x3FFE];
	_ =	sdelay $0x1  }
0x8a: {  	s1 =	srdreg.scid  }
0x8b: {  	s0 =	sand.u32 $0x1, s1  }
0x8c: {  	s17 =	sshll.u32 s0, $0xA;
	s2 =	sadd.s32 s3, s2  }
0x8d: {  	s2 =	sadd.s32 s2, s17  }
0x8e: {  	[smem:$0x3FC3] =	sst s2  }
0x8f: {  	_ = 	snop  }
0x90: {  	s2 =	sld [smem:$0x3FC8]  }
0x91: {  	s18 =	sld [smem:$0x3FC7];
	(tm) =	ssettm $0x1  }
0x92: {  	s4 =	sld [smem:$0x3FFB];
	_ =	sdelay $0x3  }
0x93: {  	_ =	strace s4  }
0x94: {  	s4 =	sld [smem:$0x3FFC];
	_ =	sdelay $0x3  }
0x95: {  	_ =	strace s4  }
0x96: {  	s4 =	sld [smem:$0x3FFD];
	_ =	sdelay $0x3  }
0x97: {  	_ =	strace s4  }
0x98: {  	_ =	strace $0x8FFFFFFF  }
0x99: {  	s19 =	sld [smem:$0x3FDB];
	_ =	sdelay $0x1  }
0x9a: {  	s5 =	simm.s32 $_scs_section_size  }
0x9b: {  	s6 =	simm.s32 $_size__tile_overlayer_lowered;
	s7 =	simm.s32 $_tile_overlayer_lowered  }
0x9c: {  	s22 =	simm.s32 $0x1BFF;
	s21 =	sshll.u32 s7, $0x1;
	s4 =	sadd.s32 s5, s19  }
0x9d: {  	s8 =	simm.s32 $0x0;
	s20 =	sshll.u32 s6, $0x1;
	s6 =	sadd.s32 s21, s4  }
0x9e: {  	[timem:s8], [sflag:s22] =	dma.local [hbm:s6], s20  }
0x9f: {  	_ =	swait.ge [sflag:s22], s20  }
0xa0: {  	s5 =	ssub.s32 $0x0, s20;
	[sflag:s22] =	ssyncset.done $0x0  }
0xa1: {  	[sflag:s22] =	ssyncadd.s32 s5;
	_ =	sdelay $0x1  }
0xa2: {  	s23 =	simm.s32 $0x1B8B  }
0xa3: {  	_ =	swait.ge [sflag:s23], $0x1  }
0xa4: {  	[sflag:s23] =	ssyncset.done $0x0  }
0xa5: {  	s25 =	simm.s32 $0x1B8E;
	s24 =	sld [smem:$0x3FFE];
	[sflag:s23] =	ssyncadd.s32 $0xFFFFFFFF  }
0xa6: {  	s26 =	simm.s32 $execute0_lowered;
	[smem:$0x3FD2] =	sst s25  }
0xa7: {  	s6 =	sshll.u32 s26, $0x1;
	_ =	strace $0x80000046;
	[dreg:$0x1] =	wrdreg $0xFFFFFFFF  }
0xa8: {  	s28 =	simm.s32 $_size_execute0_lowered;
	s4 =	sadd.s32 s4, s6;
	[dreg:$0x0] =	wrdreg $0x0  }
0xa9: {  	s6 =	sshll.u32 s28, $0x1;
	[dreg:$0x2] =	wrdreg s4  }
0xaa: {  	[dreg:$0x3] =	wrdreg s6  }
0xab: {  	[dreg:$0x4] =	wrdreg $0xC0  }
0xac: {  	_ =	task [dreg:s8], $0x5FFFF  }
0xad: {  	[dreg:$0x1] =	wrdreg $0xFFFFFFFF  }
0xae: {  	[dreg:$0x0] =	wrdreg $0x60  }
0xaf: {  	[dreg:$0x2] =	wrdreg s24  }
0xb0: {  	[dreg:$0x3] =	wrdreg s2  }
0xb1: {  	[dreg:$0x4] =	wrdreg s18  }
0xb2: {  	[dreg:$0x5] =	wrdreg $0x9  }
0xb3: {  	_ =	task.clear_ibuf [dreg:s8], $0x6FFFF;
	_ =	strace $0x90000046  }
0xb4: {  	s29 =	simm.s32 $0x9;
	_ =	strace $0x80000048  }
0xb5: {  	_ =	swait.ge [sflag:s29], $0x1  }
0xb6: {  	[sflag:s29] =	ssyncadd.s32 $0xFFFFFFFF  }
0xb7: {  	_ =	strace $0x90000048  }
0xb8: {  	_ =	sfence  }
0xb9: {  	s30 =	sld [smem:$0x0];
	_ =	sdelay $0x2  }
0xba: {  	s31 =	sshll.u32 s1, $0xD;
	s1 =	sshrl.u32 s1, $0x2  }
0xbb: {  	s3 =	sand.u32 $0x4000, s31;
	s1 =	sadd.s32 s1, s30  }
0xbc: {  	s0 =	sor.u32 s3, s0;
	s1 =	sshll.u32 s1, $0x11  }
0xbd: {  	s0 =	sor.u32 s1, s0  }
0xbe: {  	s0 =	sadd.s32 $0x8F2B, s0  }
0xbf: {  	[sflag:s0] =	ssyncadd.remote.s32 $0x1  }
0xc0: {  	_ =	sfence.sel $0xFFFF  }
0xc1: {  	[dreg:$0x0] =	wrdreg $0xFFFFFFFF;
	(pc) =	sbr.abs _section_cstart, $3  }
0xc2: {  	[dreg:$0x1] =	wrdreg $0xFFFFFFFF  }
0xc3: {  	_ =	task.clear_ibuf [dreg:s8], $0x2FFFF;
	_ =	strace $0x9FFFFFFF  }
0xc4: {  	(tm) =	ssettm $0x7FFFFFFF  }
0xc5: {  	_ =	shalt  }
tec
execute0_lowered:
.L_overlay_start_1:
0x0: {  	(tag) =	ssettag $0x1  }
0x1: {  	s1 =	rddreg [dreg:$0x0]  }
0x2: {  	s4 =	rddreg [dreg:$0x1]  }
0x3: {  	s5 =	rddreg [dreg:$0x2]  }
0x4: {  	s0 =	rddreg [dreg:$0x3];
	s6 =	srdreg.scid  }
0x5: {  	s2 =	stileid.u32;
	s3 =	simm.s32 $0x0;
	s10 =	simm.s32 $0x80  }
0x6: {  	s11 =	simm.s32 $0x400;
	s12 =	simm.s32 $0x600;
	s13 =	simm.s32 $0x480  }
0x7: {  	s14 =	simm.s32 $0x280;
	s15 =	simm.s32 $0x680;
	s16 =	simm.s32 $0x100  }
0x8: {  	s17 =	simm.s32 $0x500;
	s18 =	simm.s32 $0x300;
	s19 =	simm.s32 $0x700  }
0x9: {  	s20 =	simm.s32 $0x180;
	s21 =	simm.s32 $0x580;
	s22 =	simm.s32 $0x380  }
0xa: {  	s23 =	simm.s32 $0x780;
	s24 =	simm.s32 $0x1;
	s25 =	simm.s32 $0x800  }
0xb: {  	s26 =	simm.s32 $0x0;
	s6 =	sand.u32 $0x1, s6;
	s7 =	sshll.u32 s2, $0x1  }
0xc: {  	[smem:$0x7FF] =	sst s3;
	s7 =	sor.u32 s6, s7;
	s6 =	ssub.s32 $0x2, s6  }
0xd: {  	_ =	strace $0x80000047;
	s8 =	sshll.u32 s7, $0x1;
	s9 =	sshrl.u32 s6, $0x1  }
0xe: {  	s7 =	sshll.u32 s7, $0x6;
	s8 =	sadd.s32 s8, s1;
	s9 =	ssub.s32 s6, s9  }
0xf: {  	s4 =	sadd.s32 s4, s7;
	s5 =	sadd.s32 s5, s7;
	s6 =	sadd.s32 $0x1F000, s8  }
0x10: {  	s7 =	smax.u32 s9, $0x1;
	s8 =	simm.s32 $0x2;
	s9 =	simm.s32 $0x200  }
.LBB2_1:
0x11: {  	[tilespmem:s3], [sflag:$0x2] =	stream.linear.gather [hbm4b:s4+s3], $0x200, $0x38;
	[tilespmem:$0x810] =	vst v63  }
0x12: {  	_ =	swait.ge [sflag:s8], $0x200  }
0x13: {  	[sflag:s8] =	ssyncset.done $0x0  }
0x14: {  	[sflag:s8] =	ssyncadd.s32 $0xFFFFFE00  }
0x15: {  	[tilespmem:s9], [sflag:$0x2] =	stream.linear.gather [hbm4b:s5+s3], $0x200, $0x38;
	[tilespmem:$0x810] =	vst v63  }
0x16: {  	_ =	swait.ge [sflag:s8], $0x200  }
0x17: {  	[sflag:s8] =	ssyncset.done $0x0  }
0x18: {  	[sflag:s8] =	ssyncadd.s32 $0xFFFFFE00  }
0x19: {  	[tilespmem:s11], [sflag:$0x1] =	stream.indirect.gather [hbm4b:s1+s10], $0x1, s3, s10, $0xb8;
	[tilespmem:$0x810] =	vst v63  }
0x1a: {  	_ = 	snop  }
0x1b: {  	[tilespmem:s12], [sflag:$0x1] =	stream.indirect.gather [hbm4b:s1+s10], $0x1, s9, s10, $0xb8;
	[tilespmem:$0x810] =	vst v63  }
0x1c: {  	_ = 	snop  }
0x1d: {  	[tilespmem:s13], [sflag:$0x1] =	stream.indirect.gather [hbm4b:s1+s10], $0x1, s10, s10, $0xb8;
	[tilespmem:$0x810] =	vst v63  }
0x1e: {  	_ = 	snop  }
0x1f: {  	[tilespmem:s15], [sflag:$0x1] =	stream.indirect.gather [hbm4b:s1+s10], $0x1, s14, s10, $0xb8;
	[tilespmem:$0x810] =	vst v63  }
0x20: {  	_ = 	snop  }
0x21: {  	[tilespmem:s17], [sflag:$0x1] =	stream.indirect.gather [hbm4b:s1+s10], $0x1, s16, s10, $0xb8;
	[tilespmem:$0x810] =	vst v63  }
0x22: {  	_ = 	snop  }
0x23: {  	[tilespmem:s19], [sflag:$0x1] =	stream.indirect.gather [hbm4b:s1+s10], $0x1, s18, s10, $0xb8;
	[tilespmem:$0x810] =	vst v63  }
0x24: {  	_ = 	snop  }
0x25: {  	[tilespmem:s21], [sflag:$0x1] =	stream.indirect.gather [hbm4b:s1+s10], $0x1, s20, s10, $0xb8;
	[tilespmem:$0x810] =	vst v63  }
0x26: {  	_ = 	snop  }
0x27: {  	[tilespmem:s23], [sflag:$0x1] =	stream.indirect.gather [hbm4b:s1+s10], $0x1, s22, s10, $0xb8;
	[tilespmem:$0x810] =	vst v63  }
0x28: {  	_ =	swait.ge [sflag:s24], $0x80  }
0x29: {  	[sflag:s24] =	ssyncset.done $0x0  }
0x2a: {  	[sflag:s24] =	ssyncadd.s32 $0xFFFFFF80  }
0x2b: {  	_ =	swait.ge [sflag:s24], $0x80  }
0x2c: {  	[sflag:s24] =	ssyncset.done $0x0  }
0x2d: {  	[sflag:s24] =	ssyncadd.s32 $0xFFFFFF80  }
0x2e: {  	_ =	swait.ge [sflag:s24], $0x80  }
0x2f: {  	[sflag:s24] =	ssyncset.done $0x0  }
0x30: {  	[sflag:s24] =	ssyncadd.s32 $0xFFFFFF80  }
0x31: {  	_ =	swait.ge [sflag:s24], $0x80  }
0x32: {  	[sflag:s24] =	ssyncset.done $0x0  }
0x33: {  	[sflag:s24] =	ssyncadd.s32 $0xFFFFFF80  }
0x34: {  	_ =	swait.ge [sflag:s24], $0x80  }
0x35: {  	[sflag:s24] =	ssyncset.done $0x0  }
0x36: {  	[sflag:s24] =	ssyncadd.s32 $0xFFFFFF80  }
0x37: {  	_ =	swait.ge [sflag:s24], $0x80  }
0x38: {  	[sflag:s24] =	ssyncset.done $0x0  }
0x39: {  	[sflag:s24] =	ssyncadd.s32 $0xFFFFFF80  }
0x3a: {  	_ =	swait.ge [sflag:s24], $0x80  }
0x3b: {  	[sflag:s24] =	ssyncset.done $0x0  }
0x3c: {  	[sflag:s24] =	ssyncadd.s32 $0xFFFFFF80  }
0x3d: {  	_ =	swait.ge [sflag:s24], $0x80  }
0x3e: {  	[sflag:s24] =	ssyncset.done $0x0  }
0x3f: {  	s29 =	simm.s32 $0x0;
	[sflag:s24] =	ssyncadd.s32 $0xFFFFFF80  }
0x40: {  	v1 =	vld [tilespmem:s29+$0x400]  }
0x41: {  	v0 =	vimm.f32 $0.0e+00;
	s28 =	simm.s32 $0x40;
	v2 =	vld [tilespmem:s29+$0x600]  }
.LBB2_2:
0x42: {  	_ = 	snop  }
0x43: {  	p0 =	sne.s32 s28, $0x7C0  }
.Ltmp0:
0x44: {  	_ = 	snop;
	(pc) =	sbr.rel @p0 .LBB2_2-.Ltmp0, $4  }
0x45: {  	_ = 	snop  }
0x46: {  	s29 =	sshra.s32 s28, $0x2;
	v3 =	vsub.f32 v1, v2  }
0x47: {  	v1 =	vld [tilespmem:s29+$0x400]  }
0x48: {  	s28 =	sadd.s32 $0x40, s28;
	v2 =	vld [tilespmem:s29+$0x600];
	v0 =	vadd.f32 v3, v0  }
0x49: {  	_ =	sdelay $0x3  }
0x4a: {  	v1 =	vsub.f32 v1, v2;
	_ =	sdelay $0x1  }
0x4b: {  	v0 =	vadd.f32 v1, v0;
	_ =	sdelay $0x1  }
0x4c: {  	(xrf2) =	vadd.scan.msk.f32 $0xffff, v0;
	_ =	sdelay $0x9  }
0x4d: {  	v0, _, _ =	vpop (xrf2)  }
0x4e: {  	s26 =	sadd.s32 $0x1, s26;
	v0 =	vbroadcast v0, $0xF  }
0x4f: {  	p0 =	sne.s32 s26, s7  }
.Ltmp1:
0x50: {  	[tilespmem:$0x800] =	vst v0;
	(pc) =	sbr.rel @p0 .LBB2_1-.Ltmp1, $4  }
0x51: {  	[hbm4b:s6+s3] =	stream.linear.scatter [tilespmem:s25], [sflag:$0x2], $0x10, $0x38;
	[tilespmem:$0x810] =	vst v63  }
0x52: {  	_ =	swait.ge [sflag:s8], $0x10  }
0x53: {  	[sflag:s8] =	ssyncset.done $0x0  }
0x54: {  	[sflag:s8] =	ssyncadd.s32 $0xFFFFFFF0  }
0x55: {  	_ =	sfence.sel $0x180000  }
0x56: {  	[bflag:$0x0] =	sbarrier.arrive $0xFFFF  }
0x57: {  	p0 =	sne.s32 s2, $0x0;
	_ =	strace $0x90000047  }
0x58: {  	s0 =	sadd.s32 @!p0 $0x100000, s0;
	[bflag:$0x2] =	sbarrier.arrive $0xFFFF  }
0x59: {  	[sflag:s0] =	ssyncadd.tile.s32 @!p0 $0x1;
	_ =	shalt  }
.Lfunc_end2:
_tile_overlayer_lowered:
.L_overlay_start_2:
0x5a: {  	(tag) =	ssettag $0x2  }
0x5b: {  	s0 =	rddreg [dreg:$0x0];
	s2 =	stileid.u32  }
0x5c: {  	s1 =	rddreg [dreg:$0x1];
	p0 =	sne.s32 s2, $0x0  }
0x5d: {  	s3 =	rddreg [dreg:$0x2];
	[bflag:$0x3] =	sbarrier.arrive $0xFFFF;
	s2 =	simm.s32 @!p0 $0x1C02  }
0x5e: {  	[timem:s3], [sflag:s2] =	dma.local @!p0 [hbm:s0], s1  }
0x5f: {  	s0 =	simm.s32 @!p0 $0x2  }
0x60: {  	_ =	swait.ge @!p0 [sflag:s0], s1  }
0x61: {  	s1 =	ssub.s32 @!p0 $0x0, s1;
	[sflag:s0] =	ssyncset.done @!p0 $0x0  }
0x62: {  	[sflag:s0] =	ssyncadd.s32 @!p0 s1  }
0x63: {  	[bflag:$0x3] =	sbarrier.arrive $0xFFFF  }
0x64: {  	_ =	shalt  }

</sc_bundles>
